<compile_context>
chip_gen: v7x
topology: tpu7x:2x2x1
jax: 0.10.2.dev20260603
libtpu: 0.0.44.dev20260713+nightly
codegen_flags: <defaults>
</compile_context>

<pallas_src>
import functools

import jax
import jax.numpy as jnp
from jax import lax
from jax.experimental import pallas as pl
from jax.experimental.pallas import tpu as pltpu
from jax.experimental.pallas import tpu_sc as plsc

_BATCH = 16384
_NCLS = 100
_S = 30.0

_R_SC = 4096
_R_TC = _BATCH - _R_SC

_NC, _NS, _L = 2, 16, 16
_NW = _NC * _NS
_RPW = _R_SC // _NW
_NCHUNK = max(1, _RPW // 128)
_CW = _RPW // _NCHUNK
_GPC = _CW // _L
_U = 10

_LN2 = 0.6931471805599453

_C_TC = 4096


def _ln(a):
    bits = lax.bitcast_convert_type(a, jnp.int32)
    e = jnp.right_shift(bits, 23) - 127
    f = lax.bitcast_convert_type(
        jnp.bitwise_or(jnp.bitwise_and(bits, 0x007FFFFF), 0x3F800000),
        jnp.float32)
    big = f > 1.5
    f = jnp.where(big, 0.5 * f, f)
    e = jnp.where(big, e + 1, e)
    r = f - 1.0
    s = r / (2.0 + r)
    w = s * s
    p = 1.0 + w * (0.3333333333 + w * (0.2 + w * 0.14285714))
    return e.astype(jnp.float32) * _LN2 + 2.0 * s * p


_mesh = plsc.VectorSubcoreMesh(core_axis_name="c", subcore_axis_name="s")


@functools.partial(
    pl.kernel,
    out_type=jax.ShapeDtypeStruct((_NW * _L,), jnp.float32),
    mesh=_mesh,
    scratch_types=[
        [pltpu.VMEM((_NCLS, _CW), jnp.float32) for _ in range(_NCHUNK)],
        pltpu.VMEM((_NCLS, _L), jnp.float32),
        pltpu.VMEM((_RPW,), jnp.int32),
        pltpu.VMEM((_L,), jnp.float32),
        [pltpu.SemaphoreType.DMA for _ in range(_NCHUNK)],
        pltpu.SemaphoreType.DMA,
    ],
    compiler_params=pltpu.CompilerParams(needs_layout_passes=False),
)
def _ldam_sc(xt_hbm, t_hbm, out_hbm, x_c, sx_v, t_v, acc_v, sems, tsem):
    wid = lax.axis_index("s") * _NC + lax.axis_index("c")
    base = wid * _RPW
    th = pltpu.async_copy(t_hbm.at[pl.ds(base, _RPW)], t_v, tsem)
    handles = [
        pltpu.async_copy(
            xt_hbm.at[:, pl.ds(base + c * _CW, _CW)], x_c[c], sems[c])
        for c in range(_NCHUNK)
    ]
    th.wait()

    lane = lax.iota(jnp.int32, _L)

    def make_group(x_v, chunk_row0):
        def group(g, acc):
            r0 = g * _L
            t = t_v[pl.ds(chunk_row0 + r0, _L)]

            def pass_max(k, M2):
                j = k * _U
                vs = [x_v[j + u, pl.ds(r0, _L)] for u in range(_U)]
                for u in range(_U):
                    sv = _S * vs[u]
                    sx_v[j + u, :] = sv
                    M2 = jnp.maximum(M2, sv)
                return M2

            ninf = jnp.full((_L,), -jnp.inf, jnp.float32)
            M2 = lax.fori_loop(0, _NCLS // _U, pass_max, ninf)

            def pass_sum(k, As):
                a0, a1 = As
                j = k * _U
                es = [jnp.exp(sx_v[j + u, :] - M2) for u in range(_U)]
                p = [es[u] + es[u + 1] for u in range(0, _U, 2)]
                a0 = a0 + (p[0] + p[1])
                a1 = a1 + (p[2] + p[3])
                return (a0 + p[4], a1)

            zero = jnp.zeros((_L,), jnp.float32)
            a0, a1 = lax.fori_loop(0, _NCLS // _U, pass_sum, (zero, zero))
            A = a0 + a1

            xt2 = plsc.load_gather(sx_v, [t, lane])

            cnt = 100.0 - t.astype(jnp.float32)
            m = 0.5 * jnp.exp(-0.25 * _ln(cnt))

            et = jnp.exp(xt2 - M2)
            em = jnp.exp(-_S * m)
            Ac = A + et * (em - 1.0)
            nll = _ln(Ac) + (M2 - xt2) + _S * m
            return acc + nll
        return group

    acc = jnp.zeros((_L,), jnp.float32)
    for c in range(_NCHUNK):
        handles[c].wait()
        acc = lax.fori_loop(0, _GPC, make_group(x_c[c], c * _CW), acc)

    acc_v[...] = acc * jnp.float32(1.0 / _BATCH)
    pltpu.sync_copy(acc_v, out_hbm.at[pl.ds(wid * _L, _L)])


def _ldam_tc_body(xt_ref, t_ref, out_ref):
    @pl.when(pl.program_id(0) == 0)
    def _init():
        out_ref[...] = jnp.zeros_like(out_ref)

    xb = xt_ref[...]
    t = t_ref[...]
    iota0 = lax.broadcasted_iota(jnp.int32, (_NCLS, _C_TC), 0)
    mask = iota0 == t
    M = jnp.max(xb, axis=0, keepdims=True)
    A = jnp.sum(jnp.exp(_S * (xb - M)), axis=0, keepdims=True)
    xt = jnp.sum(jnp.where(mask, xb, 0.0), axis=0, keepdims=True)
    tf = t.astype(jnp.float32)
    m = 0.5 * jnp.exp(-0.25 * jnp.log(100.0 - tf))
    et = jnp.exp(_S * (xt - M))
    em = jnp.exp(-_S * m)
    Ac = A + et * (em - 1.0)
    nll = jnp.log(Ac) + _S * (M - xt + m)
    out_ref[...] = out_ref[...] + jnp.sum(
        nll * jnp.float32(1.0 / _BATCH), axis=1, keepdims=True)


def _ldam_tc(xt, target2d):
    grid = (_R_TC // _C_TC,)
    blk0 = _R_SC // _C_TC
    return pl.pallas_call(
        _ldam_tc_body,
        grid=grid,
        in_specs=[
            pl.BlockSpec((_NCLS, _C_TC), lambda i: (0, blk0 + i)),
            pl.BlockSpec((1, _C_TC), lambda i: (0, blk0 + i)),
        ],
        out_specs=pl.BlockSpec((1, 1), lambda i: (0, 0)),
        out_shape=jax.ShapeDtypeStruct((1, 1), jnp.float32),
    )(xt, target2d)


def kernel(x, target):
    xt = x.T
    sc_parts = _ldam_sc(xt, target)
    tc_part = _ldam_tc(xt, target.reshape(1, _BATCH))
    return jnp.sum(sc_parts) + tc_part[0, 0]

# --- scband reference (transcript-rebuilt; emitter-appended) ---
"""Pipeline reference for scband-ldamloss-33054068310752 (READ-ONLY COPY).

The authoritative reference and input builder live on the scoring server;
editing this copy changes nothing except your own understanding.
"""

import jax, jax.numpy as jnp
import numpy as np

BATCH = 16384
NUM_CLASSES = 100
S = 30.0
MAX_M = 0.5

_counts = np.array([5000 - 50 * i for i in range(NUM_CLASSES)], dtype=np.float64)
_m = 1.0 / np.sqrt(np.sqrt(_counts))
_m = _m * (MAX_M / np.max(_m))
M_LIST = jnp.asarray(_m, dtype=jnp.float32)


def setup_inputs(seed: int = 0) -> dict:
    key = jax.random.key(seed)
    k1, k2 = jax.random.split(key)
    x = jax.random.normal(k1, (BATCH, NUM_CLASSES), dtype=jnp.float32)
    target = jax.random.randint(k2, (BATCH,), 0, NUM_CLASSES, dtype=jnp.int32)
    return {"x": x, "target": target}


def reference(x, target):
    # index = one-hot mask of target classes (scatter of 1s along dim 1)
    index_float = jax.nn.one_hot(target, NUM_CLASSES, dtype=jnp.float32)
    index_bool = index_float.astype(bool)
    # batch_m = m_list[None,:] @ index_float.T -> [1, B] -> reshape [B, 1]
    batch_m = jnp.matmul(M_LIST[None, :], index_float.T).reshape(-1, 1)
    x_m = x - batch_m
    output = jnp.where(index_bool, x_m, x)
    logits = S * output
    # cross_entropy, weight=None, label_smoothing=0.0, reduction='mean'
    logp = jax.nn.log_softmax(logits, axis=-1)
    nll = -jnp.take_along_axis(logp, target[:, None], axis=1)[:, 0]
    return jnp.mean(nll)

if __name__ == "__main__":
    import jax
    _d = setup_inputs()
    print(jax.jit(kernel)(*tuple(_d.values())))

</pallas_src>

<mosaic_0001>
#map = affine_map<(d0, d1) -> (0, 0)>
#map1 = affine_map<(d0, d1) -> (0)>
module attributes {stable_mosaic.version = 14 : i64} {
  func.func @_ldam_sc(%arg0: i32, %arg1: i32, %arg2: memref<100x16384xf32, #tpu.memory_space<hbm>>, %arg3: memref<16384xi32, #tpu.memory_space<hbm>>, %arg4: memref<512xf32, #tpu.memory_space<hbm>>, %arg5: memref<100x128xf32, #tpu.memory_space<vmem>>, %arg6: memref<100x16xf32, #tpu.memory_space<vmem>>, %arg7: memref<128xi32, #tpu.memory_space<vmem>>, %arg8: memref<16xf32, #tpu.memory_space<vmem>>, %arg9: memref<!tpu.dma_semaphore, #tpu.memory_space<semaphore_mem>>, %arg10: memref<!tpu.dma_semaphore, #tpu.memory_space<semaphore_mem>>) attributes {dimension_semantics = [#tpu.dimension_semantics<core_parallel>, #tpu.dimension_semantics<subcore_parallel>], iteration_bounds = array<i64: 2, 16>, scalar_prefetch = 0 : i64, scratch_operands = 6 : i64, tpu.core_type = #tpu.core_type<sc_vector_subcore>, window_params = [{transform_indices = #map}, {transform_indices = #map1}, {transform_indices = #map1}]} {
    %mul3A = arith.constant 2 : i32
    %mul3A_0 = arith.muli %arg1, %mul3A : i32
    %add3A = arith.addi %mul3A_0, %arg0 : i32
    %mul3A_1 = arith.constant 128 : i32
    %mul3A_2 = arith.muli %add3A, %mul3A_1 : i32
    %dma_start3A = tpu.memref_slice %arg3[%mul3A_2] : memref<16384xi32, #tpu.memory_space<hbm>> -> memref<128xi32, #tpu.memory_space<hbm>>
    %dma_start3A_3 = tpu.memref_slice %arg3[%mul3A_2] : memref<16384xi32, #tpu.memory_space<hbm>> -> memref<128xi32, #tpu.memory_space<hbm>>
    tpu.enqueue_dma source(%dma_start3A_3 : memref<128xi32, #tpu.memory_space<hbm>>) target(%arg7 : memref<128xi32, #tpu.memory_space<vmem>>) target_semaphore(%arg10 : memref<!tpu.dma_semaphore, #tpu.memory_space<semaphore_mem>>)
    %add3A_4 = arith.constant 0 : i32
    %add3A_5 = arith.addi %mul3A_2, %add3A_4 : i32
    %dma_start3A_6 = arith.constant 0 : i32
    %dma_start3A_7 = tpu.memref_slice %arg2[%dma_start3A_6, %add3A_5] : memref<100x16384xf32, #tpu.memory_space<hbm>> -> memref<100x128xf32, #tpu.memory_space<hbm>>
    %dma_start3A_8 = arith.constant 0 : i32
    %dma_start3A_9 = tpu.memref_slice %arg2[%dma_start3A_8, %add3A_5] : memref<100x16384xf32, #tpu.memory_space<hbm>> -> memref<100x128xf32, #tpu.memory_space<hbm>>
    tpu.enqueue_dma source(%dma_start3A_9 : memref<100x128xf32, #tpu.memory_space<hbm>>) target(%arg5 : memref<100x128xf32, #tpu.memory_space<vmem>>) target_semaphore(%arg9 : memref<!tpu.dma_semaphore, #tpu.memory_space<semaphore_mem>>)
    %dma_wait3A = tpu.memref_slice %arg3[%mul3A_2] : memref<16384xi32, #tpu.memory_space<hbm>> -> memref<128xi32, #tpu.memory_space<hbm>>
    %dma_wait3A_10 = tpu.memref_slice %arg3[%mul3A_2] : memref<16384xi32, #tpu.memory_space<hbm>> -> memref<128xi32, #tpu.memory_space<hbm>>
    tpu.wait_dma2 semaphore(%arg10 : memref<!tpu.dma_semaphore, #tpu.memory_space<semaphore_mem>>) src(%dma_wait3A_10 : memref<128xi32, #tpu.memory_space<hbm>>) dst(%arg7 : memref<128xi32, #tpu.memory_space<vmem>>)
    %iota3A = tpu.iota {dimensions = array<i32: 0>} : vector<16xi32>
    %broadcast_in_dim3A = arith.constant 0.000000e+00 : f32
    %broadcast_in_dim3A_11 = vector.broadcast %broadcast_in_dim3A : f32 to vector<16xf32>
    %dma_wait3A_12 = arith.constant 0 : i32
    %dma_wait3A_13 = tpu.memref_slice %arg2[%dma_wait3A_12, %add3A_5] : memref<100x16384xf32, #tpu.memory_space<hbm>> -> memref<100x128xf32, #tpu.memory_space<hbm>>
    %dma_wait3A_14 = arith.constant 0 : i32
    %dma_wait3A_15 = tpu.memref_slice %arg2[%dma_wait3A_14, %add3A_5] : memref<100x16384xf32, #tpu.memory_space<hbm>> -> memref<100x128xf32, #tpu.memory_space<hbm>>
    tpu.wait_dma2 semaphore(%arg9 : memref<!tpu.dma_semaphore, #tpu.memory_space<semaphore_mem>>) src(%dma_wait3A_15 : memref<100x128xf32, #tpu.memory_space<hbm>>) dst(%arg5 : memref<100x128xf32, #tpu.memory_space<vmem>>)
    %scan3A = arith.constant 0 : i32
    %scan3A_16 = arith.constant 8 : i32
    %scan3A_17 = arith.addi %scan3A, %scan3A_16 : i32
    %scan3A_18 = arith.constant 1 : i32
    %scan3A_19 = scf.for %scan3A_27 = %scan3A to %scan3A_17 step %scan3A_18 iter_args(%scan3A_28 = %broadcast_in_dim3A_11) -> (vector<16xf32>)  : i32 {
      %mul3A_29 = arith.constant 16 : i32
      %mul3A_30 = arith.muli %scan3A_27, %mul3A_29 : i32
      %add3A_31 = arith.constant 0 : i32
      %add3A_32 = arith.addi %add3A_31, %mul3A_30 : i32
      %get3A = arith.index_cast %add3A_32 : i32 to index
      %get3A_33 = tpu.vector_load %arg7[%get3A] {strides = array<i32>} : memref<128xi32, #tpu.memory_space<vmem>>, vector<16xi32>,
      %broadcast_in_dim3A_34 = arith.constant 0xFF800000 : f32
      %broadcast_in_dim3A_35 = vector.broadcast %broadcast_in_dim3A_34 : f32 to vector<16xf32>
      %scan3A_36 = arith.constant 0 : i32
      %scan3A_37 = arith.constant 10 : i32
      %scan3A_38 = arith.addi %scan3A_36, %scan3A_37 : i32
      %scan3A_39 = arith.constant 1 : i32
      %scan3A_40 = scf.for %scan3A_182 = %scan3A_36 to %scan3A_38 step %scan3A_39 iter_args(%scan3A_183 = %broadcast_in_dim3A_35) -> (vector<16xf32>)  : i32 {
        %mul3A_184 = arith.constant 10 : i32
        %mul3A_185 = arith.muli %scan3A_182, %mul3A_184 : i32
        %add3A_186 = arith.constant 0 : i32
        %add3A_187 = arith.addi %mul3A_185, %add3A_186 : i32
        %get3A_188 = arith.index_cast %add3A_187 : i32 to index
        %get3A_189 = arith.index_cast %mul3A_30 : i32 to index
        %get3A_190 = tpu.vector_load %arg5[%get3A_188, %get3A_189] {strides = array<i32>} : memref<100x128xf32, #tpu.memory_space<vmem>>, vector<16xf32>,
        %add3A_191 = arith.constant 1 : i32
        %add3A_192 = arith.addi %mul3A_185, %add3A_191 : i32
        %get3A_193 = arith.index_cast %add3A_192 : i32 to index
        %get3A_194 = arith.index_cast %mul3A_30 : i32 to index
        %get3A_195 = tpu.vector_load %arg5[%get3A_193, %get3A_194] {strides = array<i32>} : memref<100x128xf32, #tpu.memory_space<vmem>>, vector<16xf32>,
        %add3A_196 = arith.constant 2 : i32
        %add3A_197 = arith.addi %mul3A_185, %add3A_196 : i32
        %get3A_198 = arith.index_cast %add3A_197 : i32 to index
        %get3A_199 = arith.index_cast %mul3A_30 : i32 to index
        %get3A_200 = tpu.vector_load %arg5[%get3A_198, %get3A_199] {strides = array<i32>} : memref<100x128xf32, #tpu.memory_space<vmem>>, vector<16xf32>,
        %add3A_201 = arith.constant 3 : i32
        %add3A_202 = arith.addi %mul3A_185, %add3A_201 : i32
        %get3A_203 = arith.index_cast %add3A_202 : i32 to index
        %get3A_204 = arith.index_cast %mul3A_30 : i32 to index
        %get3A_205 = tpu.vector_load %arg5[%get3A_203, %get3A_204] {strides = array<i32>} : memref<100x128xf32, #tpu.memory_space<vmem>>, vector<16xf32>,
        %add3A_206 = arith.constant 4 : i32
        %add3A_207 = arith.addi %mul3A_185, %add3A_206 : i32
        %get3A_208 = arith.index_cast %add3A_207 : i32 to index
        %get3A_209 = arith.index_cast %mul3A_30 : i32 to index
        %get3A_210 = tpu.vector_load %arg5[%get3A_208, %get3A_209] {strides = array<i32>} : memref<100x128xf32, #tpu.memory_space<vmem>>, vector<16xf32>,
        %add3A_211 = arith.constant 5 : i32
        %add3A_212 = arith.addi %mul3A_185, %add3A_211 : i32
        %get3A_213 = arith.index_cast %add3A_212 : i32 to index
        %get3A_214 = arith.index_cast %mul3A_30 : i32 to index
        %get3A_215 = tpu.vector_load %arg5[%get3A_213, %get3A_214] {strides = array<i32>} : memref<100x128xf32, #tpu.memory_space<vmem>>, vector<16xf32>,
        %add3A_216 = arith.constant 6 : i32
        %add3A_217 = arith.addi %mul3A_185, %add3A_216 : i32
        %get3A_218 = arith.index_cast %add3A_217 : i32 to index
        %get3A_219 = arith.index_cast %mul3A_30 : i32 to index
        %get3A_220 = tpu.vector_load %arg5[%get3A_218, %get3A_219] {strides = array<i32>} : memref<100x128xf32, #tpu.memory_space<vmem>>, vector<16xf32>,
        %add3A_221 = arith.constant 7 : i32
        %add3A_222 = arith.addi %mul3A_185, %add3A_221 : i32
        %get3A_223 = arith.index_cast %add3A_222 : i32 to index
        %get3A_224 = arith.index_cast %mul3A_30 : i32 to index
        %get3A_225 = tpu.vector_load %arg5[%get3A_223, %get3A_224] {strides = array<i32>} : memref<100x128xf32, #tpu.memory_space<vmem>>, vector<16xf32>,
        %add3A_226 = arith.constant 8 : i32
        %add3A_227 = arith.addi %mul3A_185, %add3A_226 : i32
        %get3A_228 = arith.index_cast %add3A_227 : i32 to index
        %get3A_229 = arith.index_cast %mul3A_30 : i32 to index
        %get3A_230 = tpu.vector_load %arg5[%get3A_228, %get3A_229] {strides = array<i32>} : memref<100x128xf32, #tpu.memory_space<vmem>>, vector<16xf32>,
        %add3A_231 = arith.constant 9 : i32
        %add3A_232 = arith.addi %mul3A_185, %add3A_231 : i32
        %get3A_233 = arith.index_cast %add3A_232 : i32 to index
        %get3A_234 = arith.index_cast %mul3A_30 : i32 to index
        %get3A_235 = tpu.vector_load %arg5[%get3A_233, %get3A_234] {strides = array<i32>} : memref<100x128xf32, #tpu.memory_space<vmem>>, vector<16xf32>,
        %mul3A_236 = arith.constant 3.000000e+01 : f32
        %mul3A_237 = vector.broadcast %mul3A_236 : f32 to vector<16xf32>
        %mul3A_238 = arith.mulf %mul3A_237, %get3A_190 : vector<16xf32>
        %add3A_239 = arith.constant 0 : i32
        %add3A_240 = arith.addi %mul3A_185, %add3A_239 : i32
        %swap3A_241 = arith.index_cast %add3A_240 : i32 to index
        %swap3A_242 = arith.constant 0 : index
        %swap3A_243 = tpu.vector_load %arg6[%swap3A_241, %swap3A_242] {strides = array<i32>} : memref<100x16xf32, #tpu.memory_space<vmem>>, vector<16xf32>,
        tpu.vector_store %arg6[%swap3A_241, %swap3A_242], %mul3A_238 {strides = array<i32>} : memref<100x16xf32, #tpu.memory_space<vmem>>, vector<16xf32>,
        %max3A = arith.maximumf %scan3A_183, %mul3A_238 : vector<16xf32>
        %mul3A_244 = arith.constant 3.000000e+01 : f32
        %mul3A_245 = vector.broadcast %mul3A_244 : f32 to vector<16xf32>
        %mul3A_246 = arith.mulf %mul3A_245, %get3A_195 : vector<16xf32>
        %add3A_247 = arith.constant 1 : i32
        %add3A_248 = arith.addi %mul3A_185, %add3A_247 : i32
        %swap3A_249 = arith.index_cast %add3A_248 : i32 to index
        %swap3A_250 = arith.constant 0 : index
        %swap3A_251 = tpu.vector_load %arg6[%swap3A_249, %swap3A_250] {strides = array<i32>} : memref<100x16xf32, #tpu.memory_space<vmem>>, vector<16xf32>,
        tpu.vector_store %arg6[%swap3A_249, %swap3A_250], %mul3A_246 {strides = array<i32>} : memref<100x16xf32, #tpu.memory_space<vmem>>, vector<16xf32>,
        %max3A_252 = arith.maximumf %max3A, %mul3A_246 : vector<16xf32>
        %mul3A_253 = arith.constant 3.000000e+01 : f32
        %mul3A_254 = vector.broadcast %mul3A_253 : f32 to vector<16xf32>
        %mul3A_255 = arith.mulf %mul3A_254, %get3A_200 : vector<16xf32>
        %add3A_256 = arith.constant 2 : i32
        %add3A_257 = arith.addi %mul3A_185, %add3A_256 : i32
        %swap3A_258 = arith.index_cast %add3A_257 : i32 to index
        %swap3A_259 = arith.constant 0 : index
        %swap3A_260 = tpu.vector_load %arg6[%swap3A_258, %swap3A_259] {strides = array<i32>} : memref<100x16xf32, #tpu.memory_space<vmem>>, vector<16xf32>,
        tpu.vector_store %arg6[%swap3A_258, %swap3A_259], %mul3A_255 {strides = array<i32>} : memref<100x16xf32, #tpu.memory_space<vmem>>, vector<16xf32>,
        %max3A_261 = arith.maximumf %max3A_252, %mul3A_255 : vector<16xf32>
        %mul3A_262 = arith.constant 3.000000e+01 : f32
        %mul3A_263 = vector.broadcast %mul3A_262 : f32 to vector<16xf32>
        %mul3A_264 = arith.mulf %mul3A_263, %get3A_205 : vector<16xf32>
        %add3A_265 = arith.constant 3 : i32
        %add3A_266 = arith.addi %mul3A_185, %add3A_265 : i32
        %swap3A_267 = arith.index_cast %add3A_266 : i32 to index
        %swap3A_268 = arith.constant 0 : index
        %swap3A_269 = tpu.vector_load %arg6[%swap3A_267, %swap3A_268] {strides = array<i32>} : memref<100x16xf32, #tpu.memory_space<vmem>>, vector<16xf32>,
        tpu.vector_store %arg6[%swap3A_267, %swap3A_268], %mul3A_264 {strides = array<i32>} : memref<100x16xf32, #tpu.memory_space<vmem>>, vector<16xf32>,
        %max3A_270 = arith.maximumf %max3A_261, %mul3A_264 : vector<16xf32>
        %mul3A_271 = arith.constant 3.000000e+01 : f32
        %mul3A_272 = vector.broadcast %mul3A_271 : f32 to vector<16xf32>
        %mul3A_273 = arith.mulf %mul3A_272, %get3A_210 : vector<16xf32>
        %add3A_274 = arith.constant 4 : i32
        %add3A_275 = arith.addi %mul3A_185, %add3A_274 : i32
        %swap3A_276 = arith.index_cast %add3A_275 : i32 to index
        %swap3A_277 = arith.constant 0 : index
        %swap3A_278 = tpu.vector_load %arg6[%swap3A_276, %swap3A_277] {strides = array<i32>} : memref<100x16xf32, #tpu.memory_space<vmem>>, vector<16xf32>,
        tpu.vector_store %arg6[%swap3A_276, %swap3A_277], %mul3A_273 {strides = array<i32>} : memref<100x16xf32, #tpu.memory_space<vmem>>, vector<16xf32>,
        %max3A_279 = arith.maximumf %max3A_270, %mul3A_273 : vector<16xf32>
        %mul3A_280 = arith.constant 3.000000e+01 : f32
        %mul3A_281 = vector.broadcast %mul3A_280 : f32 to vector<16xf32>
        %mul3A_282 = arith.mulf %mul3A_281, %get3A_215 : vector<16xf32>
        %add3A_283 = arith.constant 5 : i32
        %add3A_284 = arith.addi %mul3A_185, %add3A_283 : i32
        %swap3A_285 = arith.index_cast %add3A_284 : i32 to index
        %swap3A_286 = arith.constant 0 : index
        %swap3A_287 = tpu.vector_load %arg6[%swap3A_285, %swap3A_286] {strides = array<i32>} : memref<100x16xf32, #tpu.memory_space<vmem>>, vector<16xf32>,
        tpu.vector_store %arg6[%swap3A_285, %swap3A_286], %mul3A_282 {strides = array<i32>} : memref<100x16xf32, #tpu.memory_space<vmem>>, vector<16xf32>,
        %max3A_288 = arith.maximumf %max3A_279, %mul3A_282 : vector<16xf32>
        %mul3A_289 = arith.constant 3.000000e+01 : f32
        %mul3A_290 = vector.broadcast %mul3A_289 : f32 to vector<16xf32>
        %mul3A_291 = arith.mulf %mul3A_290, %get3A_220 : vector<16xf32>
        %add3A_292 = arith.constant 6 : i32
        %add3A_293 = arith.addi %mul3A_185, %add3A_292 : i32
        %swap3A_294 = arith.index_cast %add3A_293 : i32 to index
        %swap3A_295 = arith.constant 0 : index
        %swap3A_296 = tpu.vector_load %arg6[%swap3A_294, %swap3A_295] {strides = array<i32>} : memref<100x16xf32, #tpu.memory_space<vmem>>, vector<16xf32>,
        tpu.vector_store %arg6[%swap3A_294, %swap3A_295], %mul3A_291 {strides = array<i32>} : memref<100x16xf32, #tpu.memory_space<vmem>>, vector<16xf32>,
        %max3A_297 = arith.maximumf %max3A_288, %mul3A_291 : vector<16xf32>
        %mul3A_298 = arith.constant 3.000000e+01 : f32
        %mul3A_299 = vector.broadcast %mul3A_298 : f32 to vector<16xf32>
        %mul3A_300 = arith.mulf %mul3A_299, %get3A_225 : vector<16xf32>
        %add3A_301 = arith.constant 7 : i32
        %add3A_302 = arith.addi %mul3A_185, %add3A_301 : i32
        %swap3A_303 = arith.index_cast %add3A_302 : i32 to index
        %swap3A_304 = arith.constant 0 : index
        %swap3A_305 = tpu.vector_load %arg6[%swap3A_303, %swap3A_304] {strides = array<i32>} : memref<100x16xf32, #tpu.memory_space<vmem>>, vector<16xf32>,
        tpu.vector_store %arg6[%swap3A_303, %swap3A_304], %mul3A_300 {strides = array<i32>} : memref<100x16xf32, #tpu.memory_space<vmem>>, vector<16xf32>,
        %max3A_306 = arith.maximumf %max3A_297, %mul3A_300 : vector<16xf32>
        %mul3A_307 = arith.constant 3.000000e+01 : f32
        %mul3A_308 = vector.broadcast %mul3A_307 : f32 to vector<16xf32>
        %mul3A_309 = arith.mulf %mul3A_308, %get3A_230 : vector<16xf32>
        %add3A_310 = arith.constant 8 : i32
        %add3A_311 = arith.addi %mul3A_185, %add3A_310 : i32
        %swap3A_312 = arith.index_cast %add3A_311 : i32 to index
        %swap3A_313 = arith.constant 0 : index
        %swap3A_314 = tpu.vector_load %arg6[%swap3A_312, %swap3A_313] {strides = array<i32>} : memref<100x16xf32, #tpu.memory_space<vmem>>, vector<16xf32>,
        tpu.vector_store %arg6[%swap3A_312, %swap3A_313], %mul3A_309 {strides = array<i32>} : memref<100x16xf32, #tpu.memory_space<vmem>>, vector<16xf32>,
        %max3A_315 = arith.maximumf %max3A_306, %mul3A_309 : vector<16xf32>
        %mul3A_316 = arith.constant 3.000000e+01 : f32
        %mul3A_317 = vector.broadcast %mul3A_316 : f32 to vector<16xf32>
        %mul3A_318 = arith.mulf %mul3A_317, %get3A_235 : vector<16xf32>
        %add3A_319 = arith.constant 9 : i32
        %add3A_320 = arith.addi %mul3A_185, %add3A_319 : i32
        %swap3A_321 = arith.index_cast %add3A_320 : i32 to index
        %swap3A_322 = arith.constant 0 : index
        %swap3A_323 = tpu.vector_load %arg6[%swap3A_321, %swap3A_322] {strides = array<i32>} : memref<100x16xf32, #tpu.memory_space<vmem>>, vector<16xf32>,
        tpu.vector_store %arg6[%swap3A_321, %swap3A_322], %mul3A_318 {strides = array<i32>} : memref<100x16xf32, #tpu.memory_space<vmem>>, vector<16xf32>,
        %max3A_324 = arith.maximumf %max3A_315, %mul3A_318 : vector<16xf32>
        scf.yield %max3A_324 : vector<16xf32>
      }
      %scan3A_41 = arith.constant 10 : i32
      %broadcast_in_dim3A_42 = arith.constant 0.000000e+00 : f32
      %broadcast_in_dim3A_43 = vector.broadcast %broadcast_in_dim3A_42 : f32 to vector<16xf32>
      %scan3A_44 = arith.constant 0 : i32
      %scan3A_45 = arith.constant 10 : i32
      %scan3A_46 = arith.addi %scan3A_44, %scan3A_45 : i32
      %scan3A_47 = arith.constant 1 : i32
      %scan3A_48:2 = scf.for %scan3A_182 = %scan3A_44 to %scan3A_46 step %scan3A_47 iter_args(%scan3A_183 = %broadcast_in_dim3A_43, %scan3A_184 = %broadcast_in_dim3A_43) -> (vector<16xf32>, vector<16xf32>)  : i32 {
        %mul3A_185 = arith.constant 10 : i32
        %mul3A_186 = arith.muli %scan3A_182, %mul3A_185 : i32
        %add3A_187 = arith.constant 0 : i32
        %add3A_188 = arith.addi %mul3A_186, %add3A_187 : i32
        %get3A_189 = arith.index_cast %add3A_188 : i32 to index
        %get3A_190 = arith.constant 0 : index
        %get3A_191 = tpu.vector_load %arg6[%get3A_189, %get3A_190] {strides = array<i32>} : memref<100x16xf32, #tpu.memory_space<vmem>>, vector<16xf32>,
        %sub3A_192 = arith.subf %get3A_191, %scan3A_40 : vector<16xf32>
        %exp3A_193 = math.exp %sub3A_192 : vector<16xf32>
        %add3A_194 = arith.constant 1 : i32
        %add3A_195 = arith.addi %mul3A_186, %add3A_194 : i32
        %get3A_196 = arith.index_cast %add3A_195 : i32 to index
        %get3A_197 = arith.constant 0 : index
        %get3A_198 = tpu.vector_load %arg6[%get3A_196, %get3A_197] {strides = array<i32>} : memref<100x16xf32, #tpu.memory_space<vmem>>, vector<16xf32>,
        %sub3A_199 = arith.subf %get3A_198, %scan3A_40 : vector<16xf32>
        %exp3A_200 = math.exp %sub3A_199 : vector<16xf32>
        %add3A_201 = arith.constant 2 : i32
        %add3A_202 = arith.addi %mul3A_186, %add3A_201 : i32
        %get3A_203 = arith.index_cast %add3A_202 : i32 to index
        %get3A_204 = arith.constant 0 : index
        %get3A_205 = tpu.vector_load %arg6[%get3A_203, %get3A_204] {strides = array<i32>} : memref<100x16xf32, #tpu.memory_space<vmem>>, vector<16xf32>,
        %sub3A_206 = arith.subf %get3A_205, %scan3A_40 : vector<16xf32>
        %exp3A_207 = math.exp %sub3A_206 : vector<16xf32>
        %add3A_208 = arith.constant 3 : i32
        %add3A_209 = arith.addi %mul3A_186, %add3A_208 : i32
        %get3A_210 = arith.index_cast %add3A_209 : i32 to index
        %get3A_211 = arith.constant 0 : index
        %get3A_212 = tpu.vector_load %arg6[%get3A_210, %get3A_211] {strides = array<i32>} : memref<100x16xf32, #tpu.memory_space<vmem>>, vector<16xf32>,
        %sub3A_213 = arith.subf %get3A_212, %scan3A_40 : vector<16xf32>
        %exp3A_214 = math.exp %sub3A_213 : vector<16xf32>
        %add3A_215 = arith.constant 4 : i32
        %add3A_216 = arith.addi %mul3A_186, %add3A_215 : i32
        %get3A_217 = arith.index_cast %add3A_216 : i32 to index
        %get3A_218 = arith.constant 0 : index
        %get3A_219 = tpu.vector_load %arg6[%get3A_217, %get3A_218] {strides = array<i32>} : memref<100x16xf32, #tpu.memory_space<vmem>>, vector<16xf32>,
        %sub3A_220 = arith.subf %get3A_219, %scan3A_40 : vector<16xf32>
        %exp3A_221 = math.exp %sub3A_220 : vector<16xf32>
        %add3A_222 = arith.constant 5 : i32
        %add3A_223 = arith.addi %mul3A_186, %add3A_222 : i32
        %get3A_224 = arith.index_cast %add3A_223 : i32 to index
        %get3A_225 = arith.constant 0 : index
        %get3A_226 = tpu.vector_load %arg6[%get3A_224, %get3A_225] {strides = array<i32>} : memref<100x16xf32, #tpu.memory_space<vmem>>, vector<16xf32>,
        %sub3A_227 = arith.subf %get3A_226, %scan3A_40 : vector<16xf32>
        %exp3A_228 = math.exp %sub3A_227 : vector<16xf32>
        %add3A_229 = arith.constant 6 : i32
        %add3A_230 = arith.addi %mul3A_186, %add3A_229 : i32
        %get3A_231 = arith.index_cast %add3A_230 : i32 to index
        %get3A_232 = arith.constant 0 : index
        %get3A_233 = tpu.vector_load %arg6[%get3A_231, %get3A_232] {strides = array<i32>} : memref<100x16xf32, #tpu.memory_space<vmem>>, vector<16xf32>,
        %sub3A_234 = arith.subf %get3A_233, %scan3A_40 : vector<16xf32>
        %exp3A_235 = math.exp %sub3A_234 : vector<16xf32>
        %add3A_236 = arith.constant 7 : i32
        %add3A_237 = arith.addi %mul3A_186, %add3A_236 : i32
        %get3A_238 = arith.index_cast %add3A_237 : i32 to index
        %get3A_239 = arith.constant 0 : index
        %get3A_240 = tpu.vector_load %arg6[%get3A_238, %get3A_239] {strides = array<i32>} : memref<100x16xf32, #tpu.memory_space<vmem>>, vector<16xf32>,
        %sub3A_241 = arith.subf %get3A_240, %scan3A_40 : vector<16xf32>
        %exp3A_242 = math.exp %sub3A_241 : vector<16xf32>
        %add3A_243 = arith.constant 8 : i32
        %add3A_244 = arith.addi %mul3A_186, %add3A_243 : i32
        %get3A_245 = arith.index_cast %add3A_244 : i32 to index
        %get3A_246 = arith.constant 0 : index
        %get3A_247 = tpu.vector_load %arg6[%get3A_245, %get3A_246] {strides = array<i32>} : memref<100x16xf32, #tpu.memory_space<vmem>>, vector<16xf32>,
        %sub3A_248 = arith.subf %get3A_247, %scan3A_40 : vector<16xf32>
        %exp3A_249 = math.exp %sub3A_248 : vector<16xf32>
        %add3A_250 = arith.constant 9 : i32
        %add3A_251 = arith.addi %mul3A_186, %add3A_250 : i32
        %get3A_252 = arith.index_cast %add3A_251 : i32 to index
        %get3A_253 = arith.constant 0 : index
        %get3A_254 = tpu.vector_load %arg6[%get3A_252, %get3A_253] {strides = array<i32>} : memref<100x16xf32, #tpu.memory_space<vmem>>, vector<16xf32>,
        %sub3A_255 = arith.subf %get3A_254, %scan3A_40 : vector<16xf32>
        %exp3A_256 = math.exp %sub3A_255 : vector<16xf32>
        %add3A_257 = arith.addf %exp3A_193, %exp3A_200 : vector<16xf32>
        %add3A_258 = arith.addf %exp3A_207, %exp3A_214 : vector<16xf32>
        %add3A_259 = arith.addf %exp3A_221, %exp3A_228 : vector<16xf32>
        %add3A_260 = arith.addf %exp3A_235, %exp3A_242 : vector<16xf32>
        %add3A_261 = arith.addf %exp3A_249, %exp3A_256 : vector<16xf32>
        %add3A_262 = arith.addf %add3A_257, %add3A_258 : vector<16xf32>
        %add3A_263 = arith.addf %scan3A_183, %add3A_262 : vector<16xf32>
        %add3A_264 = arith.addf %add3A_259, %add3A_260 : vector<16xf32>
        %add3A_265 = arith.addf %scan3A_184, %add3A_264 : vector<16xf32>
        %add3A_266 = arith.addf %add3A_263, %add3A_261 : vector<16xf32>
        scf.yield %add3A_266, %add3A_265 : vector<16xf32>, vector<16xf32>
      }
      %scan3A_49 = arith.constant 10 : i32
      %add3A_50 = arith.addf %scan3A_48#0, %scan3A_48#1 : vector<16xf32>
      %gather3A = tpu.vector_load_idx %arg6[%get3A_33, %iota3A] : memref<100x16xf32, #tpu.memory_space<vmem>>[vector<16xi32>, vector<16xi32>], vector<16xf32>,
      %convert_element_type3A = arith.sitofp %get3A_33 : vector<16xi32> to vector<16xf32>
      %sub3A = arith.constant 1.000000e+02 : f32
      %sub3A_51 = vector.broadcast %sub3A : f32 to vector<16xf32>
      %sub3A_52 = arith.subf %sub3A_51, %convert_element_type3A : vector<16xf32>
      %bitcast_convert_type3A = tpu.bitcast %sub3A_52 : vector<16xf32> -> vector<16xi32>
      %shift_right_arithmetic3A = arith.constant 23 : i32
      %shift_right_arithmetic3A_53 = vector.broadcast %shift_right_arithmetic3A : i32 to vector<16xi32>
      %shift_right_arithmetic3A_54 = arith.shrsi %bitcast_convert_type3A, %shift_right_arithmetic3A_53 : vector<16xi32>
      %sub3A_55 = arith.constant 127 : i32
      %sub3A_56 = vector.broadcast %sub3A_55 : i32 to vector<16xi32>
      %sub3A_57 = arith.subi %shift_right_arithmetic3A_54, %sub3A_56 : vector<16xi32>
      %and3A = arith.constant 8388607 : i32
      %and3A_58 = vector.broadcast %and3A : i32 to vector<16xi32>
      %and3A_59 = arith.andi %bitcast_convert_type3A, %and3A_58 : vector<16xi32>
      %or3A = arith.constant 1065353216 : i32
      %or3A_60 = vector.broadcast %or3A : i32 to vector<16xi32>
      %or3A_61 = arith.ori %and3A_59, %or3A_60 : vector<16xi32>
      %bitcast_convert_type3A_62 = tpu.bitcast %or3A_61 : vector<16xi32> -> vector<16xf32>
      %gt3A = arith.constant 1.500000e+00 : f32
      %gt3A_63 = vector.broadcast %gt3A : f32 to vector<16xf32>
      %gt3A_64 = arith.cmpf ogt, %bitcast_convert_type3A_62, %gt3A_63 : vector<16xf32>
      %mul3A_65 = arith.constant 5.000000e-01 : f32
      %mul3A_66 = vector.broadcast %mul3A_65 : f32 to vector<16xf32>
      %mul3A_67 = arith.mulf %mul3A_66, %bitcast_convert_type3A_62 : vector<16xf32>
      %select_n3A = arith.select %gt3A_64, %mul3A_67, %bitcast_convert_type3A_62 : vector<16xi1>, vector<16xf32>
      %add3A_68 = arith.constant 1 : i32
      %add3A_69 = vector.broadcast %add3A_68 : i32 to vector<16xi32>
      %add3A_70 = arith.addi %sub3A_57, %add3A_69 : vector<16xi32>
      %select_n3A_71 = arith.select %gt3A_64, %add3A_70, %sub3A_57 : vector<16xi1>, vector<16xi32>
      %sub3A_72 = arith.constant 1.000000e+00 : f32
      %sub3A_73 = vector.broadcast %sub3A_72 : f32 to vector<16xf32>
      %sub3A_74 = arith.subf %select_n3A, %sub3A_73 : vector<16xf32>
      %add3A_75 = arith.constant 2.000000e+00 : f32
      %add3A_76 = vector.broadcast %add3A_75 : f32 to vector<16xf32>
      %add3A_77 = arith.addf %add3A_76, %sub3A_74 : vector<16xf32>
      %div3A = arith.divf %sub3A_74, %add3A_77 : vector<16xf32>
      %mul3A_78 = arith.mulf %div3A, %div3A : vector<16xf32>
      %mul3A_79 = arith.constant 0.142857134 : f32
      %mul3A_80 = vector.broadcast %mul3A_79 : f32 to vector<16xf32>
      %mul3A_81 = arith.mulf %mul3A_78, %mul3A_80 : vector<16xf32>
      %add3A_82 = arith.constant 2.000000e-01 : f32
      %add3A_83 = vector.broadcast %add3A_82 : f32 to vector<16xf32>
      %add3A_84 = arith.addf %add3A_83, %mul3A_81 : vector<16xf32>
      %mul3A_85 = arith.mulf %mul3A_78, %add3A_84 : vector<16xf32>
      %add3A_86 = arith.constant 0.333333343 : f32
      %add3A_87 = vector.broadcast %add3A_86 : f32 to vector<16xf32>
      %add3A_88 = arith.addf %add3A_87, %mul3A_85 : vector<16xf32>
      %mul3A_89 = arith.mulf %mul3A_78, %add3A_88 : vector<16xf32>
      %add3A_90 = arith.constant 1.000000e+00 : f32
      %add3A_91 = vector.broadcast %add3A_90 : f32 to vector<16xf32>
      %add3A_92 = arith.addf %add3A_91, %mul3A_89 : vector<16xf32>
      %convert_element_type3A_93 = arith.sitofp %select_n3A_71 : vector<16xi32> to vector<16xf32>
      %mul3A_94 = arith.constant 0.693147182 : f32
      %mul3A_95 = vector.broadcast %mul3A_94 : f32 to vector<16xf32>
      %mul3A_96 = arith.mulf %convert_element_type3A_93, %mul3A_95 : vector<16xf32>
      %mul3A_97 = arith.constant 2.000000e+00 : f32
      %mul3A_98 = vector.broadcast %mul3A_97 : f32 to vector<16xf32>
      %mul3A_99 = arith.mulf %mul3A_98, %div3A : vector<16xf32>
      %mul3A_100 = arith.mulf %mul3A_99, %add3A_92 : vector<16xf32>
      %add3A_101 = arith.addf %mul3A_96, %mul3A_100 : vector<16xf32>
      %mul3A_102 = arith.constant -2.500000e-01 : f32
      %mul3A_103 = vector.broadcast %mul3A_102 : f32 to vector<16xf32>
      %mul3A_104 = arith.mulf %mul3A_103, %add3A_101 : vector<16xf32>
      %exp3A = math.exp %mul3A_104 : vector<16xf32>
      %mul3A_105 = arith.constant 5.000000e-01 : f32
      %mul3A_106 = vector.broadcast %mul3A_105 : f32 to vector<16xf32>
      %mul3A_107 = arith.mulf %mul3A_106, %exp3A : vector<16xf32>
      %sub3A_108 = arith.subf %gather3A, %scan3A_40 : vector<16xf32>
      %exp3A_109 = math.exp %sub3A_108 : vector<16xf32>
      %mul3A_110 = arith.constant -3.000000e+01 : f32
      %mul3A_111 = vector.broadcast %mul3A_110 : f32 to vector<16xf32>
      %mul3A_112 = arith.mulf %mul3A_111, %mul3A_107 : vector<16xf32>
      %exp3A_113 = math.exp %mul3A_112 : vector<16xf32>
      %sub3A_114 = arith.constant 1.000000e+00 : f32
      %sub3A_115 = vector.broadcast %sub3A_114 : f32 to vector<16xf32>
      %sub3A_116 = arith.subf %exp3A_113, %sub3A_115 : vector<16xf32>
      %mul3A_117 = arith.mulf %exp3A_109, %sub3A_116 : vector<16xf32>
      %add3A_118 = arith.addf %add3A_50, %mul3A_117 : vector<16xf32>
      %bitcast_convert_type3A_119 = tpu.bitcast %add3A_118 : vector<16xf32> -> vector<16xi32>
      %shift_right_arithmetic3A_120 = arith.constant 23 : i32
      %shift_right_arithmetic3A_121 = vector.broadcast %shift_right_arithmetic3A_120 : i32 to vector<16xi32>
      %shift_right_arithmetic3A_122 = arith.shrsi %bitcast_convert_type3A_119, %shift_right_arithmetic3A_121 : vector<16xi32>
      %sub3A_123 = arith.constant 127 : i32
      %sub3A_124 = vector.broadcast %sub3A_123 : i32 to vector<16xi32>
      %sub3A_125 = arith.subi %shift_right_arithmetic3A_122, %sub3A_124 : vector<16xi32>
      %and3A_126 = arith.constant 8388607 : i32
      %and3A_127 = vector.broadcast %and3A_126 : i32 to vector<16xi32>
      %and3A_128 = arith.andi %bitcast_convert_type3A_119, %and3A_127 : vector<16xi32>
      %or3A_129 = arith.constant 1065353216 : i32
      %or3A_130 = vector.broadcast %or3A_129 : i32 to vector<16xi32>
      %or3A_131 = arith.ori %and3A_128, %or3A_130 : vector<16xi32>
      %bitcast_convert_type3A_132 = tpu.bitcast %or3A_131 : vector<16xi32> -> vector<16xf32>
      %gt3A_133 = arith.constant 1.500000e+00 : f32
      %gt3A_134 = vector.broadcast %gt3A_133 : f32 to vector<16xf32>
      %gt3A_135 = arith.cmpf ogt, %bitcast_convert_type3A_132, %gt3A_134 : vector<16xf32>
      %mul3A_136 = arith.constant 5.000000e-01 : f32
      %mul3A_137 = vector.broadcast %mul3A_136 : f32 to vector<16xf32>
      %mul3A_138 = arith.mulf %mul3A_137, %bitcast_convert_type3A_132 : vector<16xf32>
      %select_n3A_139 = arith.select %gt3A_135, %mul3A_138, %bitcast_convert_type3A_132 : vector<16xi1>, vector<16xf32>
      %add3A_140 = arith.constant 1 : i32
      %add3A_141 = vector.broadcast %add3A_140 : i32 to vector<16xi32>
      %add3A_142 = arith.addi %sub3A_125, %add3A_141 : vector<16xi32>
      %select_n3A_143 = arith.select %gt3A_135, %add3A_142, %sub3A_125 : vector<16xi1>, vector<16xi32>
      %sub3A_144 = arith.constant 1.000000e+00 : f32
      %sub3A_145 = vector.broadcast %sub3A_144 : f32 to vector<16xf32>
      %sub3A_146 = arith.subf %select_n3A_139, %sub3A_145 : vector<16xf32>
      %add3A_147 = arith.constant 2.000000e+00 : f32
      %add3A_148 = vector.broadcast %add3A_147 : f32 to vector<16xf32>
      %add3A_149 = arith.addf %add3A_148, %sub3A_146 : vector<16xf32>
      %div3A_150 = arith.divf %sub3A_146, %add3A_149 : vector<16xf32>
      %mul3A_151 = arith.mulf %div3A_150, %div3A_150 : vector<16xf32>
      %mul3A_152 = arith.constant 0.142857134 : f32
      %mul3A_153 = vector.broadcast %mul3A_152 : f32 to vector<16xf32>
      %mul3A_154 = arith.mulf %mul3A_151, %mul3A_153 : vector<16xf32>
      %add3A_155 = arith.constant 2.000000e-01 : f32
      %add3A_156 = vector.broadcast %add3A_155 : f32 to vector<16xf32>
      %add3A_157 = arith.addf %add3A_156, %mul3A_154 : vector<16xf32>
      %mul3A_158 = arith.mulf %mul3A_151, %add3A_157 : vector<16xf32>
      %add3A_159 = arith.constant 0.333333343 : f32
      %add3A_160 = vector.broadcast %add3A_159 : f32 to vector<16xf32>
      %add3A_161 = arith.addf %add3A_160, %mul3A_158 : vector<16xf32>
      %mul3A_162 = arith.mulf %mul3A_151, %add3A_161 : vector<16xf32>
      %add3A_163 = arith.constant 1.000000e+00 : f32
      %add3A_164 = vector.broadcast %add3A_163 : f32 to vector<16xf32>
      %add3A_165 = arith.addf %add3A_164, %mul3A_162 : vector<16xf32>
      %convert_element_type3A_166 = arith.sitofp %select_n3A_143 : vector<16xi32> to vector<16xf32>
      %mul3A_167 = arith.constant 0.693147182 : f32
      %mul3A_168 = vector.broadcast %mul3A_167 : f32 to vector<16xf32>
      %mul3A_169 = arith.mulf %convert_element_type3A_166, %mul3A_168 : vector<16xf32>
      %mul3A_170 = arith.constant 2.000000e+00 : f32
      %mul3A_171 = vector.broadcast %mul3A_170 : f32 to vector<16xf32>
      %mul3A_172 = arith.mulf %mul3A_171, %div3A_150 : vector<16xf32>
      %mul3A_173 = arith.mulf %mul3A_172, %add3A_165 : vector<16xf32>
      %add3A_174 = arith.addf %mul3A_169, %mul3A_173 : vector<16xf32>
      %sub3A_175 = arith.subf %scan3A_40, %gather3A : vector<16xf32>
      %add3A_176 = arith.addf %add3A_174, %sub3A_175 : vector<16xf32>
      %mul3A_177 = arith.constant 3.000000e+01 : f32
      %mul3A_178 = vector.broadcast %mul3A_177 : f32 to vector<16xf32>
      %mul3A_179 = arith.mulf %mul3A_178, %mul3A_107 : vector<16xf32>
      %add3A_180 = arith.addf %add3A_176, %mul3A_179 : vector<16xf32>
      %add3A_181 = arith.addf %scan3A_28, %add3A_180 : vector<16xf32>
      scf.yield %add3A_181 : vector<16xf32>
    }
    %scan3A_20 = arith.constant 8 : i32
    %mul3A_21 = arith.constant 6.10351563E-5 : f32
    %mul3A_22 = vector.broadcast %mul3A_21 : f32 to vector<16xf32>
    %mul3A_23 = arith.mulf %scan3A_19, %mul3A_22 : vector<16xf32>
    %swap3A = arith.constant 0 : index
    %swap3A_24 = tpu.vector_load %arg8[%swap3A] {strides = array<i32>} : memref<16xf32, #tpu.memory_space<vmem>>, vector<16xf32>,
    tpu.vector_store %arg8[%swap3A], %mul3A_23 {strides = array<i32>} : memref<16xf32, #tpu.memory_space<vmem>>, vector<16xf32>,
    %mul3A_25 = arith.constant 16 : i32
    %mul3A_26 = arith.muli %add3A, %mul3A_25 : i32
    "tpu.region"() ({
      %run_scoped3A = tpu.sem_alloc : memref<!tpu.dma_semaphore, #tpu.memory_space<semaphore_mem>>
      %dma_start3A_27 = tpu.memref_slice %arg4[%mul3A_26] : memref<512xf32, #tpu.memory_space<hbm>> -> memref<16xf32, #tpu.memory_space<hbm>>
      %dma_start3A_28 = tpu.memref_slice %arg4[%mul3A_26] : memref<512xf32, #tpu.memory_space<hbm>> -> memref<16xf32, #tpu.memory_space<hbm>>
      tpu.enqueue_dma source(%arg8 : memref<16xf32, #tpu.memory_space<vmem>>) target(%dma_start3A_28 : memref<16xf32, #tpu.memory_space<hbm>>) target_semaphore(%run_scoped3A : memref<!tpu.dma_semaphore, #tpu.memory_space<semaphore_mem>>)
      %dma_wait3A_29 = tpu.memref_slice %arg4[%mul3A_26] : memref<512xf32, #tpu.memory_space<hbm>> -> memref<16xf32, #tpu.memory_space<hbm>>
      %dma_wait3A_30 = tpu.memref_slice %arg4[%mul3A_26] : memref<512xf32, #tpu.memory_space<hbm>> -> memref<16xf32, #tpu.memory_space<hbm>>
      tpu.wait_dma2 semaphore(%run_scoped3A : memref<!tpu.dma_semaphore, #tpu.memory_space<semaphore_mem>>) src(%arg8 : memref<16xf32, #tpu.memory_space<vmem>>) dst(%dma_wait3A_30 : memref<16xf32, #tpu.memory_space<hbm>>)
      tpu.yield
    }) : () -> ()
    return
  }
}

module attributes {stable_mosaic.version = 14 : i64} {
  func.func @_ldam_tc_body(%arg0: i32, %arg1: memref<100x4096xf32, #tpu.memory_space<vmem>>, %arg2: memref<1x4096xi32, #tpu.memory_space<vmem>>, %arg3: memref<1x1xf32, #tpu.memory_space<vmem>>) attributes {dimension_semantics = [#tpu.dimension_semantics<arbitrary>], iteration_bounds = array<i64: 3>, scalar_prefetch = 0 : i64, scratch_operands = 0 : i64, tpu.core_type = #tpu.core_type<tc>, window_params = [{transform_indices = @transform_0, window_bounds = array<i64: 100, 4096>}, {transform_indices = @transform_1, window_bounds = array<i64: 1, 4096>}, {pipeline_mode = #tpu.pipeline_mode<synchronous>, transform_indices = @transform_2, window_bounds = array<i64: 1, 1>}]} {
    %eq3A = arith.constant 0 : i32
    %eq3A_0 = arith.cmpi eq, %arg0, %eq3A : i32
    %convert_element_type3A = arith.extui %eq3A_0 : i1 to i32
    %cond3A = arith.constant 0 : i32
    %cond3A_1 = arith.cmpi ne, %convert_element_type3A, %cond3A : i32
    scf.if %cond3A_1 {
      %broadcast_in_dim3A_62 = arith.constant 0.000000e+00 : f32
      %broadcast_in_dim3A_63 = vector.broadcast %broadcast_in_dim3A_62 : f32 to vector<1x1xf32>
      %swap3A_64 = arith.constant 0 : index
      %swap3A_65 = arith.constant 0 : index
      %swap3A_66 = vector.load %arg3[%swap3A_64, %swap3A_65] : memref<1x1xf32, #tpu.memory_space<vmem>>, vector<1x1xf32>
      tpu.vector_store %arg3[%swap3A_64, %swap3A_65], %broadcast_in_dim3A_63 {strides = array<i32>} : memref<1x1xf32, #tpu.memory_space<vmem>>, vector<1x1xf32>,
    } else {
    }
    %get3A = arith.constant 0 : index
    %get3A_2 = arith.constant 0 : index
    %get3A_3 = vector.load %arg1[%get3A, %get3A_2] : memref<100x4096xf32, #tpu.memory_space<vmem>>, vector<100x4096xf32>
    %get3A_4 = arith.constant 0 : index
    %get3A_5 = arith.constant 0 : index
    %get3A_6 = vector.load %arg2[%get3A_4, %get3A_5] : memref<1x4096xi32, #tpu.memory_space<vmem>>, vector<1x4096xi32>
    %iota3A = tpu.iota {dimensions = array<i32: 0>} : vector<100x4096xi32>
    %eq3A_7 = vector.broadcast %get3A_6 : vector<1x4096xi32> to vector<100x4096xi32>
    %eq3A_8 = arith.cmpi eq, %iota3A, %eq3A_7 : vector<100x4096xi32>
    %reduce_max3A = arith.constant dense<0xFF800000> : vector<4096xf32>
    %reduce_max3A_9 = vector.multi_reduction <maximumf>, %get3A_3, %reduce_max3A [0] : vector<100x4096xf32> to vector<4096xf32>
    %broadcast_in_dim3A = vector.shape_cast %reduce_max3A_9 : vector<4096xf32> to vector<1x4096xf32>
    %sub3A = vector.broadcast %broadcast_in_dim3A : vector<1x4096xf32> to vector<100x4096xf32>
    %sub3A_10 = arith.subf %get3A_3, %sub3A : vector<100x4096xf32>
    %mul3A = arith.constant 3.000000e+01 : f32
    %mul3A_11 = vector.broadcast %mul3A : f32 to vector<100x4096xf32>
    %mul3A_12 = arith.mulf %mul3A_11, %sub3A_10 : vector<100x4096xf32>
    %exp3A = math.exp %mul3A_12 : vector<100x4096xf32>
    %reduce_sum3A = arith.constant dense<0.000000e+00> : vector<4096xf32>
    %reduce_sum3A_13 = vector.multi_reduction <add>, %exp3A, %reduce_sum3A [0] : vector<100x4096xf32> to vector<4096xf32>
    %broadcast_in_dim3A_14 = vector.shape_cast %reduce_sum3A_13 : vector<4096xf32> to vector<1x4096xf32>
    %jit3A = arith.constant 0.000000e+00 : f32
    %broadcast_in_dim3A_15 = vector.broadcast %jit3A : f32 to vector<100x4096xf32>
    %select_n3A = arith.select %eq3A_8, %get3A_3, %broadcast_in_dim3A_15 : vector<100x4096xi1>, vector<100x4096xf32>
    %reduce_sum3A_16 = arith.constant dense<0.000000e+00> : vector<4096xf32>
    %reduce_sum3A_17 = vector.multi_reduction <add>, %select_n3A, %reduce_sum3A_16 [0] : vector<100x4096xf32> to vector<4096xf32>
    %broadcast_in_dim3A_18 = vector.shape_cast %reduce_sum3A_17 : vector<4096xf32> to vector<1x4096xf32>
    %convert_element_type3A_19 = arith.sitofp %get3A_6 : vector<1x4096xi32> to vector<1x4096xf32>
    %sub3A_20 = arith.constant 1.000000e+02 : f32
    %sub3A_21 = vector.broadcast %sub3A_20 : f32 to vector<1x4096xf32>
    %sub3A_22 = arith.subf %sub3A_21, %convert_element_type3A_19 : vector<1x4096xf32>
    %log3A = math.log %sub3A_22 : vector<1x4096xf32>
    %mul3A_23 = arith.constant -2.500000e-01 : f32
    %mul3A_24 = vector.broadcast %mul3A_23 : f32 to vector<1x4096xf32>
    %mul3A_25 = arith.mulf %mul3A_24, %log3A : vector<1x4096xf32>
    %exp3A_26 = math.exp %mul3A_25 : vector<1x4096xf32>
    %mul3A_27 = arith.constant 5.000000e-01 : f32
    %mul3A_28 = vector.broadcast %mul3A_27 : f32 to vector<1x4096xf32>
    %mul3A_29 = arith.mulf %mul3A_28, %exp3A_26 : vector<1x4096xf32>
    %sub3A_30 = arith.subf %broadcast_in_dim3A_18, %broadcast_in_dim3A : vector<1x4096xf32>
    %mul3A_31 = arith.constant 3.000000e+01 : f32
    %mul3A_32 = vector.broadcast %mul3A_31 : f32 to vector<1x4096xf32>
    %mul3A_33 = arith.mulf %mul3A_32, %sub3A_30 : vector<1x4096xf32>
    %exp3A_34 = math.exp %mul3A_33 : vector<1x4096xf32>
    %mul3A_35 = arith.constant -3.000000e+01 : f32
    %mul3A_36 = vector.broadcast %mul3A_35 : f32 to vector<1x4096xf32>
    %mul3A_37 = arith.mulf %mul3A_36, %mul3A_29 : vector<1x4096xf32>
    %exp3A_38 = math.exp %mul3A_37 : vector<1x4096xf32>
    %sub3A_39 = arith.constant 1.000000e+00 : f32
    %sub3A_40 = vector.broadcast %sub3A_39 : f32 to vector<1x4096xf32>
    %sub3A_41 = arith.subf %exp3A_38, %sub3A_40 : vector<1x4096xf32>
    %mul3A_42 = arith.mulf %exp3A_34, %sub3A_41 : vector<1x4096xf32>
    %add3A = arith.addf %broadcast_in_dim3A_14, %mul3A_42 : vector<1x4096xf32>
    %log3A_43 = math.log %add3A : vector<1x4096xf32>
    %sub3A_44 = arith.subf %broadcast_in_dim3A, %broadcast_in_dim3A_18 : vector<1x4096xf32>
    %add3A_45 = arith.addf %sub3A_44, %mul3A_29 : vector<1x4096xf32>
    %mul3A_46 = arith.constant 3.000000e+01 : f32
    %mul3A_47 = vector.broadcast %mul3A_46 : f32 to vector<1x4096xf32>
    %mul3A_48 = arith.mulf %mul3A_47, %add3A_45 : vector<1x4096xf32>
    %add3A_49 = arith.addf %log3A_43, %mul3A_48 : vector<1x4096xf32>
    %get3A_50 = arith.constant 0 : index
    %get3A_51 = arith.constant 0 : index
    %get3A_52 = vector.load %arg3[%get3A_50, %get3A_51] : memref<1x1xf32, #tpu.memory_space<vmem>>, vector<1x1xf32>
    %mul3A_53 = arith.constant 6.10351563E-5 : f32
    %mul3A_54 = vector.broadcast %mul3A_53 : f32 to vector<1x4096xf32>
    %mul3A_55 = arith.mulf %add3A_49, %mul3A_54 : vector<1x4096xf32>
    %reduce_sum3A_56 = arith.constant dense<0.000000e+00> : vector<1xf32>
    %reduce_sum3A_57 = vector.multi_reduction <add>, %mul3A_55, %reduce_sum3A_56 [1] : vector<1x4096xf32> to vector<1xf32>
    %broadcast_in_dim3A_58 = vector.shape_cast %reduce_sum3A_57 : vector<1xf32> to vector<1x1xf32>
    %add3A_59 = arith.addf %get3A_52, %broadcast_in_dim3A_58 : vector<1x1xf32>
    %swap3A = arith.constant 0 : index
    %swap3A_60 = arith.constant 0 : index
    %swap3A_61 = vector.load %arg3[%swap3A, %swap3A_60] : memref<1x1xf32, #tpu.memory_space<vmem>>, vector<1x1xf32>
    tpu.vector_store %arg3[%swap3A, %swap3A_60], %add3A_59 {strides = array<i32>} : memref<1x1xf32, #tpu.memory_space<vmem>>, vector<1x1xf32>,
    return
  }
  func.func @transform_0(%arg0: i32) -> (i32, i32) {
    %add3A = arith.constant 1 : i32
    %add3A_0 = arith.addi %add3A, %arg0 : i32
    %c0_i32 = arith.constant 0 : i32
    %c0_i32_1 = arith.constant 0 : i32
    return %c0_i32, %add3A_0 : i32, i32
  }
  func.func @transform_1(%arg0: i32) -> (i32, i32) {
    %add3A = arith.constant 1 : i32
    %add3A_0 = arith.addi %add3A, %arg0 : i32
    %c0_i32 = arith.constant 0 : i32
    %c0_i32_1 = arith.constant 0 : i32
    return %c0_i32, %add3A_0 : i32, i32
  }
  func.func @transform_2(%arg0: i32) -> (i32, i32) {
    %c0_i32 = arith.constant 0 : i32
    %c0_i32_0 = arith.constant 0 : i32
    %c0_i32_1 = arith.constant 0 : i32
    return %c0_i32, %c0_i32_0 : i32, i32
  }
}

</mosaic_0001>

<sc_bundles>
// kernel: kernel.4.cloned.1.call-start
scs
__scs_entry_jumppad:
0x0: {  	(pc) =	sbr.rel $0x88, $3  }
0x1: {  	(tag) =	ssettag $0x0;
	lr =	simm.s32 $0x1  }
0x2: {  	[smem:$0x3F9F] =	sst lr;
	_ =	strace $0xD0000000  }
0x3: {  	_ = 	snop  }
0x4: {  	_ = 	snop  }
0x5: {  	_ = 	snop  }
0x6: {  	_ = 	snop  }
0x7: {  	_ = 	snop  }
__scs_overlays_trampoline_lowered:
0x8: {  	[smem:$0x3FAE] =	sst s0  }
0x9: {  	[smem:$0x3FAF] =	sst s1  }
0xa: {  	[smem:$0x3FB0] =	sst s2  }
0xb: {  	[smem:$0x3FB1] =	sst s3  }
0xc: {  	[smem:$0x3FB2] =	sst s4  }
0xd: {  	[smem:$0x3FB3] =	sst s5  }
0xe: {  	[smem:$0x3FB4] =	sst s6  }
0xf: {  	[smem:$0x3FB5] =	sst s7  }
0x10: {  	[smem:$0x3FB6] =	sst s8  }
0x11: {  	[smem:$0x3FB7] =	sst s9;
	s0 =	simm.s32 @!p0 $0x0  }
0x12: {  	s1 =	sld [smem:$0x3F9D];
	s0 =	simm.s32 @p0 $0x1  }
0x13: {  	[smem:$0x3FB8] =	sst s0;
	s0 =	simm.s32 @!p1 $0x0  }
0x14: {  	s2 =	sld [smem:$0x3F9C];
	s0 =	simm.s32 @p1 $0x1  }
0x15: {  	[smem:$0x3FB9] =	sst s0;
	s0 =	simm.s32 @!p2 $0x0  }
0x16: {  	s3 =	sld [smem:$0x3FDB];
	s0 =	simm.s32 @p2 $0x1  }
0x17: {  	s4 =	simm.s32 $0x1BF5;
	[smem:$0x3FBB] =	sst s0  }
0x18: {  	s0 =	sld [smem:$0x3F9E];
	_ =	swait.ge [sflag:s4], $0x0  }
0x19: {  	s7 =	sld [smem:$0x3F9F]  }
0x1a: {  	s8 =	sadd.s32 $0xFFFFE003, lr  }
0x1b: {  	s9 =	sadd.s32 $0xFFFFFEF7, lr;
	s5 =	simm.s32 $0xFFFFFFFF;
	p2 =	slt.u32 s8, $0xFFFFF086  }
0x1c: {  	p1 =	slt.u32 s9, $0xF7A;
	s5 =	simm.s32 @!p2 $0x0  }
0x1d: {  	s5 =	simm.s32 @p1 $0x1;
	p0 =	seq.s32 s7, s2  }
0x1e: {  	s7 =	smul.u32 @!p0 $0xF7A, s2;
	p2 =	seq.s32 @!p0 s5, $0x0  }
0x1f: {  	s9 =	smul.u32 $0xF7A, s1;
	s8 =	simm.s32 @!p0 $0x1BF5;
	p2 =	por !p2, p0  }
0x20: {  	[sflag:s8] =	ssyncset.s32 @!p0 $0xFFFFF086;
	s6 =	sadd.s32 @!p0 s3, s7;
	s7 =	simm.s32 @!p0 $0x108  }
0x21: {  	s3 =	sadd.s32 s3, s9;
	s6 =	sadd.s32 @!p0 $0x88, s6;
	s7 =	simm.s32 @p2 $0x1082  }
0x22: {  	[simem:s7], [sflag:s8] =	dma.local @!p0 [hbm:s6], $0xF7A  }
0x23: {  	s9 =	sor.u32 $0xD0000000, s2;
	s6 =	simm.s32 $0x108;
	_ =	swait.ge @!p0 [sflag:s8], $0x0  }
0x24: {  	s3 =	sadd.s32 $0x88, s3;
	s6 =	simm.s32 @!p1 $0x1082;
	[sflag:s4] =	ssyncset.s32 $0xFFFFF086  }
0x25: {  	[simem:s6], [sflag:s4] =	dma.local [hbm:s3], $0xF7A  }
0x26: {  	[smem:$0x3F9F] =	sst s1;
	(tag) =	ssettag s2;
	_ =	strace s9  }
0x27: {  	s1 =	sld [smem:$0x3FAF]  }
0x28: {  	s2 =	sld [smem:$0x3FB0]  }
0x29: {  	s4 =	sld [smem:$0x3FB2]  }
0x2a: {  	p0 =	seq.s32 s5, $0x0;
	s5 =	sld [smem:$0x3FB3]  }
0x2b: {  	s6 =	sld [smem:$0x3FB4]  }
0x2c: {  	s7 =	sld [smem:$0x3FB5]  }
0x2d: {  	s3 =	simm.s32 $0x108;
	s8 =	sld [smem:$0x3FB6]  }
0x2e: {  	s3 =	simm.s32 @!p0 $0x1082;
	s9 =	sld [smem:$0x3FB7]  }
0x2f: {  	lr =	sadd.s32 s0, s3;
	s0 =	sld [smem:$0x3FAE]  }
0x30: {  	s3 =	sld [smem:$0x3FB1]  }
0x31: {  	[smem:$0x3FBA] =	sst s10  }
0x32: {  	s10 =	sld [smem:$0x3FB8];
	_ =	sdelay $0x3  }
0x33: {  	p0 =	seq.s32 s10, $0x1;
	s10 =	sld [smem:$0x3FBA];
	_ =	sdelay $0x3  }
0x34: {  	[smem:$0x3FBA] =	sst s10  }
0x35: {  	s10 =	sld [smem:$0x3FB9];
	_ =	sdelay $0x3  }
0x36: {  	p1 =	seq.s32 s10, $0x1;
	s10 =	sld [smem:$0x3FBA];
	_ =	sdelay $0x3  }
0x37: {  	[smem:$0x3FBA] =	sst s10  }
0x38: {  	s10 =	sld [smem:$0x3FBB]  }
0x39: {  	_ = 	snop;
	(pc) =	sbr.ind lr, $3  }
0x3a: {  	_ = 	snop  }
0x3b: {  	_ = 	snop  }
0x3c: {  	p2 =	seq.s32 s10, $0x1;
	s10 =	sld [smem:$0x3FBA]  }
0x3d: {  	_ =	shalt  }
0x3e: {  	_ =	shalt  }
0x3f: {  	_ =	shalt  }
0x40: {  	_ =	shalt  }
0x41: {  	_ =	shalt  }
0x42: {  	_ =	shalt  }
0x43: {  	_ =	shalt  }
0x44: {  	_ =	shalt  }
0x45: {  	_ =	shalt  }
0x46: {  	_ =	shalt  }
0x47: {  	_ =	shalt  }
0x48: {  	_ =	shalt  }
0x49: {  	_ =	shalt  }
0x4a: {  	_ =	shalt  }
0x4b: {  	_ =	shalt  }
0x4c: {  	_ =	shalt  }
0x4d: {  	_ =	shalt  }
0x4e: {  	_ =	shalt  }
0x4f: {  	_ =	shalt  }
0x50: {  	_ =	shalt  }
0x51: {  	_ =	shalt  }
0x52: {  	_ =	shalt  }
0x53: {  	_ =	shalt  }
0x54: {  	_ =	shalt  }
0x55: {  	_ =	shalt  }
0x56: {  	_ =	shalt  }
0x57: {  	_ =	shalt  }
0x58: {  	_ =	shalt  }
0x59: {  	_ =	shalt  }
0x5a: {  	_ =	shalt  }
0x5b: {  	_ =	shalt  }
0x5c: {  	_ =	shalt  }
0x5d: {  	_ =	shalt  }
0x5e: {  	_ =	shalt  }
0x5f: {  	_ =	shalt  }
0x60: {  	_ =	shalt  }
0x61: {  	_ =	shalt  }
0x62: {  	_ =	shalt  }
0x63: {  	_ =	shalt  }
0x64: {  	_ =	shalt  }
0x65: {  	_ =	shalt  }
0x66: {  	_ =	shalt  }
0x67: {  	_ =	shalt  }
0x68: {  	_ =	shalt  }
0x69: {  	_ =	shalt  }
0x6a: {  	_ =	shalt  }
0x6b: {  	_ =	shalt  }
0x6c: {  	_ =	shalt  }
0x6d: {  	_ =	shalt  }
0x6e: {  	_ =	shalt  }
0x6f: {  	_ =	shalt  }
0x70: {  	_ =	shalt  }
0x71: {  	_ =	shalt  }
0x72: {  	_ =	shalt  }
0x73: {  	_ =	shalt  }
0x74: {  	_ =	shalt  }
0x75: {  	_ =	shalt  }
0x76: {  	_ =	shalt  }
0x77: {  	_ =	shalt  }
0x78: {  	_ =	shalt  }
0x79: {  	_ =	shalt  }
0x7a: {  	_ =	shalt  }
0x7b: {  	_ =	shalt  }
0x7c: {  	_ =	shalt  }
0x7d: {  	_ =	shalt  }
0x7e: {  	_ =	shalt  }
0x7f: {  	_ =	shalt  }
0x80: {  	_ =	shalt  }
0x81: {  	_ =	shalt  }
0x82: {  	_ =	shalt  }
0x83: {  	_ =	shalt  }
0x84: {  	_ =	shalt  }
0x85: {  	_ =	shalt  }
0x86: {  	_ =	shalt  }
0x87: {  	_ =	shalt  }
.Lfunc_end0:
.L_simem_size_0:
called_computation_lowered:
.L_overlay_start_0:
0x88: {  	s2 =	sld [smem:$0x3FD9]  }
0x89: {  	s3 =	sld [smem:$0x3FFE];
	_ =	sdelay $0x1  }
0x8a: {  	s1 =	srdreg.scid  }
0x8b: {  	s0 =	sand.u32 $0x1, s1  }
0x8c: {  	s17 =	sshll.u32 s0, $0xA;
	s2 =	sadd.s32 s3, s2  }
0x8d: {  	s2 =	sadd.s32 s2, s17  }
0x8e: {  	[smem:$0x3FC6] =	sst s2  }
0x8f: {  	_ = 	snop  }
0x90: {  	s2 =	sld [smem:$0x3FC9]  }
0x91: {  	s18 =	sld [smem:$0x3FC8];
	(tm) =	ssettm $0x1  }
0x92: {  	s4 =	sld [smem:$0x3FFB];
	_ =	sdelay $0x3  }
0x93: {  	_ =	strace s4  }
0x94: {  	s4 =	sld [smem:$0x3FFC];
	_ =	sdelay $0x3  }
0x95: {  	_ =	strace s4  }
0x96: {  	s4 =	sld [smem:$0x3FFD];
	_ =	sdelay $0x3  }
0x97: {  	_ =	strace s4  }
0x98: {  	_ =	strace $0x8FFFFFFF  }
0x99: {  	s19 =	sld [smem:$0x3FDB];
	_ =	sdelay $0x1  }
0x9a: {  	s5 =	simm.s32 $_scs_section_size  }
0x9b: {  	s6 =	simm.s32 $_size__tile_overlayer_lowered;
	s7 =	simm.s32 $_tile_overlayer_lowered  }
0x9c: {  	s22 =	simm.s32 $0x1BFF;
	s21 =	sshll.u32 s7, $0x1;
	s4 =	sadd.s32 s5, s19  }
0x9d: {  	s8 =	simm.s32 $0x0;
	s20 =	sshll.u32 s6, $0x1;
	s6 =	sadd.s32 s21, s4  }
0x9e: {  	[timem:s8], [sflag:s22] =	dma.local [hbm:s6], s20  }
0x9f: {  	_ =	swait.ge [sflag:s22], s20  }
0xa0: {  	s5 =	ssub.s32 $0x0, s20;
	[sflag:s22] =	ssyncset.done $0x0  }
0xa1: {  	[sflag:s22] =	ssyncadd.s32 s5;
	_ =	sdelay $0x1  }
0xa2: {  	s23 =	simm.s32 $0x1B8B  }
0xa3: {  	_ =	swait.ge [sflag:s23], $0x1  }
0xa4: {  	[sflag:s23] =	ssyncset.done $0x0  }
0xa5: {  	s25 =	simm.s32 $0x1B8E;
	s24 =	sld [smem:$0x3FFE];
	[sflag:s23] =	ssyncadd.s32 $0xFFFFFFFF  }
0xa6: {  	s26 =	simm.s32 $execute0_lowered;
	[smem:$0x3FD2] =	sst s25  }
0xa7: {  	s6 =	sshll.u32 s26, $0x1;
	_ =	strace $0x80000046;
	[dreg:$0x1] =	wrdreg $0xFFFFFFFF  }
0xa8: {  	s28 =	simm.s32 $_size_execute0_lowered;
	s4 =	sadd.s32 s4, s6;
	[dreg:$0x0] =	wrdreg $0x0  }
0xa9: {  	s6 =	sshll.u32 s28, $0x1;
	[dreg:$0x2] =	wrdreg s4  }
0xaa: {  	[dreg:$0x3] =	wrdreg s6  }
0xab: {  	[dreg:$0x4] =	wrdreg $0xC0  }
0xac: {  	_ =	task [dreg:s8], $0x5FFFF  }
0xad: {  	[dreg:$0x1] =	wrdreg $0xFFFFFFFF  }
0xae: {  	[dreg:$0x0] =	wrdreg $0x60  }
0xaf: {  	[dreg:$0x2] =	wrdreg s2  }
0xb0: {  	[dreg:$0x3] =	wrdreg s18  }
0xb1: {  	[dreg:$0x4] =	wrdreg s24  }
0xb2: {  	[dreg:$0x5] =	wrdreg $0x9  }
0xb3: {  	_ =	task.clear_ibuf [dreg:s8], $0x6FFFF;
	_ =	strace $0x90000046  }
0xb4: {  	s29 =	simm.s32 $0x9;
	_ =	strace $0x80000048  }
0xb5: {  	_ =	swait.ge [sflag:s29], $0x1  }
0xb6: {  	[sflag:s29] =	ssyncadd.s32 $0xFFFFFFFF  }
0xb7: {  	_ =	strace $0x90000048  }
0xb8: {  	_ =	sfence  }
0xb9: {  	s30 =	sld [smem:$0x0];
	_ =	sdelay $0x2  }
0xba: {  	s31 =	sshll.u32 s1, $0xD;
	s1 =	sshrl.u32 s1, $0x2  }
0xbb: {  	s3 =	sand.u32 $0x4000, s31;
	s1 =	sadd.s32 s1, s30  }
0xbc: {  	s0 =	sor.u32 s3, s0;
	s1 =	sshll.u32 s1, $0x11  }
0xbd: {  	s0 =	sor.u32 s1, s0  }
0xbe: {  	s0 =	sadd.s32 $0x8F2B, s0  }
0xbf: {  	[sflag:s0] =	ssyncadd.remote.s32 $0x1  }
0xc0: {  	_ =	sfence.sel $0xFFFF  }
0xc1: {  	[dreg:$0x0] =	wrdreg $0xFFFFFFFF;
	(pc) =	sbr.abs _section_cstart, $3  }
0xc2: {  	[dreg:$0x1] =	wrdreg $0xFFFFFFFF  }
0xc3: {  	_ =	task.clear_ibuf [dreg:s8], $0x2FFFF;
	_ =	strace $0x9FFFFFFF  }
0xc4: {  	(tm) =	ssettm $0x7FFFFFFF  }
0xc5: {  	_ =	shalt  }
tec
execute0_lowered:
.L_overlay_start_1:
0x0: {  	(tag) =	ssettag $0x1  }
0x1: {  	s3 =	rddreg [dreg:$0x0]  }
0x2: {  	s4 =	rddreg [dreg:$0x1]  }
0x3: {  	s5 =	rddreg [dreg:$0x2]  }
0x4: {  	s0 =	rddreg [dreg:$0x3]  }
0x5: {  	s6 =	srdreg.scid;
	s1 =	stileid.u32;
	s2 =	simm.s32 $0x0  }
0x6: {  	s10 =	simm.s32 $0x20000;
	s11 =	simm.s32 $0x3000;
	s12 =	simm.s32 $0x2  }
0x7: {  	s13 =	simm.s32 $0x1;
	s14 =	simm.s32 $0x3400;
	s15 =	simm.s32 $0x6880  }
0x8: {  	s16 =	simm.s32 $0x3;
	s6 =	sand.u32 $0x1, s6;
	s7 =	sshll.u32 s1, $0x1  }
0x9: {  	s17 =	simm.s32 $0x0;
	[smem:$0x7FF] =	sst s2;
	s7 =	sor.u32 s6, s7  }
0xa: {  	_ =	strace $0x80000047;
	s30 =	ssub.s32 $0x2, s6;
	s8 =	sshll.u32 s7, $0x1  }
0xb: {  	s31 =	sshll.u32 s7, $0x7;
	s9 =	sshrl.u32 s30, $0x1;
	s7 =	sshll.u32 s7, $0x4  }
0xc: {  	s8 =	sadd.s32 s8, s5;
	s3 =	sadd.s32 s3, s31;
	s9 =	ssub.s32 s30, s9  }
0xd: {  	s4 =	sadd.s32 s4, s7;
	s5 =	sadd.s32 $0x30000, s3;
	s6 =	sadd.s32 $0x400, s8  }
0xe: {  	v0 =	vlaneseq.u32;
	v1 =	vimm.s32 $0xFFFFFF81;
	s7 =	smax.u32 s9, $0x1;
	s8 =	simm.s32 $0x6800;
	s9 =	simm.s32 $0x400  }
.LBB2_1:
0xf: {  	[tilespmem:s8], [sflag:$0x2] =	stream.linear.gather [hbm4b:s4+s2], $0x80, $0x38;
	[tilespmem:$0x6900] =	vst v63  }
0x10: {  	_ = 	snop  }
0x11: {  	[tilespmem:s2], [sflag:$0x1] =	stream.strided.gather [hbm4b:s3+s9], $0x3000, s10, s9, $0x38;
	[tilespmem:$0x6900] =	vst v63  }
0x12: {  	_ = 	snop  }
0x13: {  	[tilespmem:s11], [sflag:$0x1] =	stream.linear.gather [hbm4b:s5+s2], $0x200, $0x38;
	[tilespmem:$0x6900] =	vst v63  }
0x14: {  	_ =	swait.ge [sflag:s12], $0x80  }
0x15: {  	[sflag:s12] =	ssyncset.done $0x0  }
0x16: {  	[sflag:s12] =	ssyncadd.s32 $0xFFFFFF80  }
0x17: {  	_ =	swait.ge [sflag:s13], $0x3200  }
0x18: {  	[sflag:s13] =	ssyncset.done $0x0  }
0x19: {  	v2 =	vimm.f32 $0.0e+00;
	s18 =	simm.s32 $0x0;
	s19 =	simm.s32 $0x0;
	[sflag:s13] =	ssyncadd.s32 $0xFFFFCE00  }
.LBB2_2:
0x1a: {  	v5 =	vmov s18;
	_ =	sdelay $0x2  }
0x1b: {  	s20 =	sshll.u32 s19, $0x4  }
0x1c: {  	v3 =	vld [tilespmem:s20+$0x6800];
	s20 =	simm.s32 $0x480  }
0x1d: {  	v4 =	vld.idx.msk [tilespmem:v5+s20+$0x0 ss:$0x1], $0xffff  }
0x1e: {  	v6 =	vld.idx.msk [tilespmem:v5+s20+$0xFFFFFF80 ss:$0x1], $0xffff  }
0x1f: {  	v7 =	vld.idx.msk [tilespmem:v5+s20+$0xFFFFFF00 ss:$0x1], $0xffff  }
0x20: {  	v8 =	vld.idx.msk [tilespmem:v5+s20+$0xFFFFFE80 ss:$0x1], $0xffff  }
0x21: {  	v9 =	vld.idx.msk [tilespmem:v5+s20+$0xFFFFFE00 ss:$0x1], $0xffff  }
0x22: {  	v13 =	vld.idx.msk [tilespmem:v5+s20+$0xFFFFFD80 ss:$0x1], $0xffff  }
0x23: {  	v12 =	vld.idx.msk [tilespmem:v5+s20+$0xFFFFFD00 ss:$0x1], $0xffff  }
0x24: {  	v11 =	vld.idx.msk [tilespmem:v5+s20+$0xFFFFFC80 ss:$0x1], $0xffff;
	v4 =	vmul.f32 $3.000000000e+01, v4  }
0x25: {  	v14 =	vld.idx.msk [tilespmem:v5+s20+$0xFFFFFC00 ss:$0x1], $0xffff;
	v7 =	vmul.f32 $3.000000000e+01, v7  }
0x26: {  	v15 =	vld.idx.msk [tilespmem:v5+s20+$0xFFFFFB80 ss:$0x1], $0xffff;
	v8 =	vmul.f32 $3.000000000e+01, v8;
	[tilespmem:s20+$0x3400] =	vst v4  }
0x27: {  	v10 =	vimm.f32 $-Inf;
	s21 =	simm.s32 $0x2600;
	s22 =	simm.s32 $0x3A00;
	v6 =	vmul.f32 $3.000000000e+01, v6;
	v9 =	vmul.f32 $3.000000000e+01, v9;
	[tilespmem:s20+$0x3300] =	vst v7  }
.LBB2_3:
0x28: {  	p0 =	sne.s32 s22, $0xC600;
	v13 =	vmul.f32 $3.000000000e+01, v13;
	[tilespmem:s20+$0x3280] =	vst v8  }
0x29: {  	v12 =	vmul.f32 $3.000000000e+01, v12;
	[tilespmem:s20+$0x3200] =	vst v9  }
0x2a: {  	v11 =	vmul.f32 $3.000000000e+01, v11;
	[tilespmem:s20+$0x3180] =	vst v13  }
0x2b: {  	v14 =	vmul.f32 $3.000000000e+01, v14;
	[tilespmem:s20+$0x3100] =	vst v12  }
0x2c: {  	v15 =	vmul.f32 $3.000000000e+01, v15;
	[tilespmem:s20+$0x3080] =	vst v11  }
0x2d: {  	[tilespmem:s20+$0x3000] =	vst v14  }
0x2e: {  	v10 =	vmax.f32 v10, v15;
	[tilespmem:s20+$0x2F80] =	vst v15  }
0x2f: {  	v10 =	vmax.f32 v10, v14;
	[tilespmem:s20+$0x3380] =	vst v6;
	s20 =	sshra.s32 s21, $0x2;
	s21 =	smov.u32 s22  }
0x30: {  	v10 =	vmax.f32 v10, v11;
	v14 =	vld.idx.msk [tilespmem:v5+s20+$0x0 ss:$0x1], $0xffff  }
0x31: {  	v10 =	vmax.f32 v10, v12;
	v15 =	vld.idx.msk [tilespmem:v5+s20+$0xFFFFFF80 ss:$0x1], $0xffff  }
0x32: {  	v10 =	vmax.f32 v10, v13;
	v16 =	vld.idx.msk [tilespmem:v5+s20+$0xFFFFFF00 ss:$0x1], $0xffff  }
0x33: {  	v9 =	vmax.f32 v10, v9;
	v17 =	vld.idx.msk [tilespmem:v5+s20+$0xFFFFFE80 ss:$0x1], $0xffff  }
0x34: {  	v8 =	vmax.f32 v9, v8;
	v18 =	vld.idx.msk [tilespmem:v5+s20+$0xFFFFFE00 ss:$0x1], $0xffff  }
0x35: {  	v7 =	vmax.f32 v8, v7;
	v13 =	vld.idx.msk [tilespmem:v5+s20+$0xFFFFFD80 ss:$0x1], $0xffff  }
.Ltmp0:
0x36: {  	v7 =	vmax.f32 v7, v6;
	v12 =	vld.idx.msk [tilespmem:v5+s20+$0xFFFFFD00 ss:$0x1], $0xffff;
	(pc) =	sbr.rel @p0 .LBB2_3-.Ltmp0, $4  }
0x37: {  	v6 =	vmul.f32 $3.000000000e+01, v15;
	v10 =	vmax.f32 v7, v4;
	v4 =	vmul.f32 $3.000000000e+01, v14;
	v11 =	vld.idx.msk [tilespmem:v5+s20+$0xFFFFFC80 ss:$0x1], $0xffff  }
0x38: {  	v7 =	vmul.f32 $3.000000000e+01, v16;
	v14 =	vld.idx.msk [tilespmem:v5+s20+$0xFFFFFC00 ss:$0x1], $0xffff  }
0x39: {  	v8 =	vmul.f32 $3.000000000e+01, v17;
	v15 =	vld.idx.msk [tilespmem:v5+s20+$0xFFFFFB80 ss:$0x1], $0xffff;
	[tilespmem:s20+$0x3400] =	vst v4  }
0x3a: {  	s22 =	sadd.s32 $0x1400, s22;
	v9 =	vmul.f32 $3.000000000e+01, v18;
	[tilespmem:s20+$0x3300] =	vst v7  }
0x3b: {  	[tilespmem:s20+$0x3280] =	vst v8  }
0x3c: {  	v13 =	vmul.f32 $3.000000000e+01, v13;
	[tilespmem:s20+$0x3380] =	vst v6  }
0x3d: {  	v12 =	vmul.f32 $3.000000000e+01, v12;
	[tilespmem:s20+$0x3200] =	vst v9  }
0x3e: {  	v11 =	vmul.f32 $3.000000000e+01, v11;
	[tilespmem:s20+$0x3180] =	vst v13  }
0x3f: {  	v14 =	vmul.f32 $3.000000000e+01, v14;
	[tilespmem:s20+$0x3100] =	vst v12  }
0x40: {  	v15 =	vmul.f32 $3.000000000e+01, v15;
	[tilespmem:s20+$0x3080] =	vst v11  }
0x41: {  	[tilespmem:s20+$0x3000] =	vst v14  }
0x42: {  	s21 =	sshra.s32 s21, $0x2;
	[tilespmem:s20+$0x2F80] =	vst v15  }
0x43: {  	v16 =	vld.idx.msk [tilespmem:v5+s21+$0x0 ss:$0x1], $0xffff  }
0x44: {  	v17 =	vld.idx.msk [tilespmem:v5+s21+$0xFFFFFF80 ss:$0x1], $0xffff  }
0x45: {  	v18 =	vld.idx.msk [tilespmem:v5+s21+$0xFFFFFF00 ss:$0x1], $0xffff  }
0x46: {  	v19 =	vld.idx.msk [tilespmem:v5+s21+$0xFFFFFE80 ss:$0x1], $0xffff  }
0x47: {  	v20 =	vld.idx.msk [tilespmem:v5+s21+$0xFFFFFE00 ss:$0x1], $0xffff  }
0x48: {  	v10 =	vmax.f32 v10, v15;
	v15 =	vld.idx.msk [tilespmem:v5+s21+$0xFFFFFD80 ss:$0x1], $0xffff  }
0x49: {  	v10 =	vmax.f32 v10, v14;
	v14 =	vld.idx.msk [tilespmem:v5+s21+$0xFFFFFD00 ss:$0x1], $0xffff  }
0x4a: {  	v10 =	vmax.f32 v10, v11;
	v11 =	vld.idx.msk [tilespmem:v5+s21+$0xFFFFFC80 ss:$0x1], $0xffff  }
0x4b: {  	v10 =	vmax.f32 v10, v12;
	v12 =	vmul.f32 $3.000000000e+01, v16;
	v16 =	vld.idx.msk [tilespmem:v5+s21+$0xFFFFFB80 ss:$0x1], $0xffff  }
0x4c: {  	v10 =	vmax.f32 v10, v13;
	v5 =	vld.idx.msk [tilespmem:v5+s21+$0xFFFFFC00 ss:$0x1], $0xffff;
	v13 =	vmul.f32 $3.000000000e+01, v18  }
0x4d: {  	v9 =	vmax.f32 v10, v9;
	v10 =	vmul.f32 $3.000000000e+01, v19;
	[tilespmem:s21+$0x3400] =	vst v12  }
0x4e: {  	v8 =	vmax.f32 v9, v8;
	v9 =	vmul.f32 $3.000000000e+01, v20;
	[tilespmem:s21+$0x3300] =	vst v13  }
0x4f: {  	v7 =	vmax.f32 v8, v7;
	v8 =	vmul.f32 $3.000000000e+01, v15;
	[tilespmem:s21+$0x3280] =	vst v10  }
0x50: {  	v6 =	vmax.f32 v7, v6;
	v7 =	vmul.f32 $3.000000000e+01, v14;
	[tilespmem:s21+$0x3200] =	vst v9;
	v14 =	vmul.f32 $3.000000000e+01, v16  }
0x51: {  	v4 =	vmax.f32 v6, v4;
	v6 =	vmul.f32 $3.000000000e+01, v11;
	[tilespmem:s21+$0x3180] =	vst v8;
	v5 =	vmul.f32 $3.000000000e+01, v5  }
0x52: {  	v11 =	vmul.f32 $3.000000000e+01, v17;
	[tilespmem:s21+$0x3100] =	vst v7;
	v4 =	vmax.f32 v4, v14  }
0x53: {  	[tilespmem:s21+$0x3080] =	vst v6;
	v4 =	vmax.f32 v4, v5  }
0x54: {  	[tilespmem:s21+$0x3380] =	vst v11;
	v4 =	vmax.f32 v4, v6  }
0x55: {  	[tilespmem:s21+$0x3000] =	vst v5;
	v4 =	vmax.f32 v4, v7  }
0x56: {  	s30 =	simm.s32 $0x0;
	[tilespmem:s21+$0x2F80] =	vst v14;
	v4 =	vmax.f32 v4, v8  }
0x57: {  	v5 =	vld [tilespmem:s30+$0x3400];
	v4 =	vmax.f32 v4, v9  }
0x58: {  	v4 =	vmax.f32 v4, v10  }
0x59: {  	v6 =	vld [tilespmem:s30+$0x3480];
	v4 =	vmax.f32 v4, v13  }
0x5a: {  	v7 =	vld [tilespmem:s30+$0x3500];
	v4 =	vmax.f32 v4, v11  }
0x5b: {  	v8 =	vld [tilespmem:s30+$0x3580];
	v4 =	vmax.f32 v4, v12  }
0x5c: {  	v5 =	vsub.f32 v5, v4  }
0x5d: {  	v9 =	vld [tilespmem:s30+$0x3800]  }
0x5e: {  	v10 =	vld [tilespmem:s30+$0x3880];
	v6 =	vsub.f32 v6, v4;
	v5 =	vmul.f32 $1.442695020e+00, v5  }
0x5f: {  	v7 =	vsub.f32 v7, v4  }
0x60: {  	v8 =	vsub.f32 v8, v4;
	v6 =	vmul.f32 $1.442695020e+00, v6;
	(erf) = vpow2.f32 v5;
	v5 =	vld [tilespmem:s30+$0x3600]  }
0x61: {  	v7 =	vmul.f32 $1.442695020e+00, v7  }
0x62: {  	v9 =	vsub.f32 v9, v4;
	v8 =	vmul.f32 $1.442695020e+00, v8;
	(erf) = vpow2.f32 v6;
	v6 =	vld [tilespmem:s30+$0x3680]  }
0x63: {  	v10 =	vsub.f32 v10, v4;
	(erf) = vpow2.f32 v7;
	v7 =	vld [tilespmem:s30+$0x3700]  }
0x64: {  	v9 =	vmul.f32 $1.442695020e+00, v9;
	(erf) = vpow2.f32 v8;
	v8 =	vld [tilespmem:s30+$0x3780]  }
0x65: {  	s31 =	simm.s32 $0x500;
	v10 =	vmul.f32 $1.442695020e+00, v10;
	v5 =	vsub.f32 v5, v4  }
0x66: {  	v11 =	vld [tilespmem:s31+$0x3400];
	(erf) = vpow2.f32 v9  }
0x67: {  	v12 =	vld [tilespmem:s31+$0x3480];
	(erf) = vpow2.f32 v10;
	v6 =	vsub.f32 v6, v4;
	v10 =	vmul.f32 $1.442695020e+00, v5  }
0x68: {  	v9 =	vld [tilespmem:s31+$0x3500];
	v7 =	vsub.f32 v7, v4  }
0x69: {  	v8 =	vsub.f32 v8, v4;
	v6 =	vmul.f32 $1.442695020e+00, v6  }
0x6a: {  	v13 =	vld [tilespmem:s31+$0x3580];
	v14 =	vpop (erf);
	v7 =	vmul.f32 $1.442695020e+00, v7;
	(erf) = vpow2.f32 v10  }
0x6b: {  	v8 =	vmul.f32 $1.442695020e+00, v8;
	(erf) = vpow2.f32 v6;
	v10 =	vpop (erf)  }
0x6c: {  	v15 =	vld [tilespmem:s31+$0x3600];
	v6 =	vsub.f32 v11, v4;
	(erf) = vpow2.f32 v7;
	v16 =	vpop (erf)  }
0x6d: {  	v9 =	vsub.f32 v9, v4;
	v11 =	vld [tilespmem:s31+$0x3800];
	v7 =	vsub.f32 v12, v4;
	(erf) = vpow2.f32 v8;
	v12 =	vpop (erf)  }
0x6e: {  	v8 =	vld [tilespmem:s31+$0x3880];
	v10 =	vadd.f32 v10, v14;
	v6 =	vmul.f32 $1.442695020e+00, v6;
	v12 =	vadd.f32 v12, v16  }
0x6f: {  	v17 =	vld [tilespmem:s31+$0x3680];
	v13 =	vsub.f32 v13, v4;
	v7 =	vmul.f32 $1.442695020e+00, v7  }
0x70: {  	v9 =	vmul.f32 $1.442695020e+00, v9;
	v14 =	vld [tilespmem:s31+$0x3700];
	(erf) = vpow2.f32 v6;
	v10 =	vadd.f32 v12, v10  }
0x71: {  	v5 =	vimm.f32 $0.0e+00;
	v6 =	vmul.f32 $1.442695020e+00, v13;
	(erf) = vpow2.f32 v7  }
0x72: {  	v16 =	vld [tilespmem:s31+$0x3780];
	v11 =	vsub.f32 v11, v4;
	(erf) = vpow2.f32 v9;
	v12 =	vpop (erf);
	v10 =	vadd.f32 v10, v5  }
0x73: {  	v15 =	vsub.f32 v15, v4;
	v8 =	vsub.f32 v8, v4;
	(erf) = vpow2.f32 v6;
	v13 =	vpop (erf)  }
0x74: {  	v61 =	vmul.f32 $1.442695020e+00, v11;
	v7 =	vadd.f32 v13, v12;
	v12 =	vsub.f32 v17, v4;
	v17 =	vpop (erf)  }
0x75: {  	s20 =	simm.s32 $0xA00;
	v14 =	vsub.f32 v14, v4;
	v8 =	vmul.f32 $1.442695020e+00, v8;
	v62 =	vpop (erf)  }
0x76: {  	v63 =	vmul.f32 $1.442695020e+00, v15;
	v9 =	vld [tilespmem:s20+$0x3400];
	(erf) = vpow2.f32 v61;
	v6 =	vadd.f32 v7, v10;
	v10 =	vpop (erf)  }
0x77: {  	v11 =	vld [tilespmem:s20+$0x3480];
	v15 =	vsub.f32 v16, v4;
	v14 =	vmul.f32 $1.442695020e+00, v14;
	(erf) = vpow2.f32 v8;
	v16 =	vpop (erf)  }
0x78: {  	v13 =	vmul.f32 $1.442695020e+00, v12;
	v7 =	vadd.f32 v62, v17;
	v12 =	vld [tilespmem:s20+$0x3500];
	v8 =	vadd.f32 v16, v10  }
0x79: {  	s21 =	simm.s32 $0x3C00;
	v15 =	vmul.f32 $1.442695020e+00, v15;
	(erf) = vpow2.f32 v63;
	v10 =	vld [tilespmem:s20+$0x3600]  }
.LBB2_5:
0x7a: {  	p0 =	sne.s32 s21, $0xB400;
	v16 =	vld [tilespmem:s20+$0x3580];
	v17 =	vpop (erf);
	(erf) = vpow2.f32 v13;
	v7 =	vadd.f32 v8, v7  }
0x7b: {  	v8 =	vld [tilespmem:s20+$0x3680];
	v13 =	vpop (erf);
	(erf) = vpow2.f32 v14  }
0x7c: {  	v9 =	vsub.f32 v9, v4;
	v14 =	vld [tilespmem:s20+$0x3800];
	v18 =	vpop (erf);
	(erf) = vpow2.f32 v15;
	v5 =	vadd.f32 v7, v5  }
0x7d: {  	v7 =	vsub.f32 v11, v4;
	v11 =	vsub.f32 v12, v4;
	v12 =	vld [tilespmem:s20+$0x3700];
	v15 =	vpop (erf)  }
0x7e: {  	v20 =	vadd.f32 v13, v17;
	v9 =	vmul.f32 $1.442695020e+00, v9;
	v19 =	vld [tilespmem:s20+$0x3880];
	v15 =	vadd.f32 v15, v18  }
0x7f: {  	v18 =	vmul.f32 $1.442695020e+00, v7;
	v10 =	vsub.f32 v10, v4;
	v21 =	vsub.f32 v16, v4;
	v17 =	vld [tilespmem:s20+$0x3780]  }
0x80: {  	v11 =	vmul.f32 $1.442695020e+00, v11;
	(erf) = vpow2.f32 v9;
	v9 =	vadd.f32 v15, v20;
	v13 =	vpop (erf)  }
0x81: {  	v20 =	vmul.f32 $1.442695020e+00, v21;
	v14 =	vsub.f32 v14, v4;
	(erf) = vpow2.f32 v18;
	v7 =	vpop (erf)  }
0x82: {  	(erf) = vpow2.f32 v11;
	v7 =	vadd.f32 v7, v13;
	v6 =	vadd.f32 v9, v6;
	v16 =	vpop (erf)  }
0x83: {  	v8 =	vsub.f32 v8, v4;
	v11 =	vsub.f32 v19, v4;
	(erf) = vpow2.f32 v20;
	v15 =	vpop (erf)  }
.Ltmp1:
0x84: {  	s20 =	sshra.s32 s21, $0x2;
	v18 =	vsub.f32 v12, v4;
	v12 =	vmul.f32 $1.442695020e+00, v14;
	v6 =	vadd.f32 v7, v6;
	v19 =	vpop (erf);
	(pc) =	sbr.rel @p0 .LBB2_5-.Ltmp1, $4  }
0x85: {  	v20 =	vmul.f32 $1.442695020e+00, v10;
	v17 =	vsub.f32 v17, v4;
	v9 =	vld [tilespmem:s20+$0x3400];
	v10 =	vmul.f32 $1.442695020e+00, v11;
	v21 =	vpop (erf)  }
0x86: {  	v13 =	vmul.f32 $1.442695020e+00, v8;
	v7 =	vadd.f32 v15, v16;
	v11 =	vld [tilespmem:s20+$0x3480];
	(erf) = vpow2.f32 v12  }
0x87: {  	v14 =	vmul.f32 $1.442695020e+00, v18;
	v8 =	vadd.f32 v21, v19;
	v12 =	vld [tilespmem:s20+$0x3500];
	(erf) = vpow2.f32 v10  }
0x88: {  	s21 =	sadd.s32 $0x1400, s21;
	v15 =	vmul.f32 $1.442695020e+00, v17;
	v10 =	vld [tilespmem:s20+$0x3600];
	(erf) = vpow2.f32 v20  }
0x89: {  	v16 =	vld [tilespmem:s20+$0x3580]  }
0x8a: {  	v49 =	vld [tilespmem:s20+$0x3680]  }
0x8b: {  	(erf) = vpow2.f32 v13;
	v50 =	vld [tilespmem:s20+$0x3800];
	v17 =	vcvt.s32.f32 v3  }
0x8c: {  	v51 =	vld [tilespmem:s20+$0x3880];
	v9 =	vsub.f32 v9, v4;
	(erf) = vpow2.f32 v14;
	v11 =	vsub.f32 v11, v4  }
0x8d: {  	v18 =	vld [tilespmem:s20+$0x3700];
	(erf) = vpow2.f32 v15;
	v53 =	vsub.f32 $1.000000000e+02, v17  }
0x8e: {  	v12 =	vsub.f32 v12, v4;
	v9 =	vmul.f32 $1.442695020e+00, v9;
	v11 =	vmul.f32 $1.442695020e+00, v11  }
0x8f: {  	v19 =	vld [tilespmem:s20+$0x3780];
	v10 =	vsub.f32 v10, v4;
	v57 =	vand.u32 $0x7FFFFF, v53;
	v16 =	vsub.f32 v16, v4  }
0x90: {  	v52 =	vpop (erf);
	v12 =	vmul.f32 $1.442695020e+00, v12;
	(erf) = vpow2.f32 v9;
	v14 =	vsub.f32 v50, v4  }
0x91: {  	v54 =	vpop (erf);
	v55 =	vsub.f32 v49, v4;
	(erf) = vpow2.f32 v11;
	v16 =	vmul.f32 $1.442695020e+00, v16  }
0x92: {  	v56 =	vpop (erf);
	v15 =	vsub.f32 v51, v4;
	v18 =	vsub.f32 v18, v4;
	(erf) = vpow2.f32 v12  }
0x93: {  	v20 =	vpop (erf);
	v14 =	vmul.f32 $1.442695020e+00, v14;
	(erf) = vpow2.f32 v16;
	v16 =	vor.u32 $0x3F800000, v57  }
0x94: {  	v19 =	vsub.f32 v19, v4;
	v21 =	vpop (erf);
	v15 =	vmul.f32 $1.442695020e+00, v15;
	v22 =	vmul.f32 $5.000000000e-01, v16  }
0x95: {  	v10 =	vmul.f32 $1.442695020e+00, v10;
	v23 =	vpop (erf);
	(erf) = vpow2.f32 v14;
	vm0 =	vgt.f32 v16, $1.500000000e+00  }
0x96: {  	v12 =	vmul.f32 $1.442695020e+00, v55;
	v58 =	vpop (erf);
	(erf) = vpow2.f32 v15;
	v59 =	vsel vm0, v22, v16  }
0x97: {  	v18 =	vmul.f32 $1.442695020e+00, v18;
	v60 =	vpop (erf);
	(erf) = vpow2.f32 v10;
	v61 =	vadd.f32 $-1.000000000e+00, v59  }
0x98: {  	v19 =	vmul.f32 $1.442695020e+00, v19;
	v62 =	vpop (erf);
	(erf) = vpow2.f32 v12  }
0x99: {  	v63 =	vpop (erf);
	(erf) = vpow2.f32 v18;
	v36 =	vadd.f32 $2.000000000e+00, v61  }
0x9a: {  	v37 =	vpop (erf);
	(erf) = vpow2.f32 v19  }
0x9b: {  	v38 =	vpop (erf);
	(erf) = vrcp.f32 v36  }
0x9c: {  	v39 =	vpop (erf)  }
0x9d: {  	v24 =	vpop (erf)  }
0x9e: {  	v25 =	vpop (erf)  }
0x9f: {  	v26 =	vpop (erf)  }
0xa0: {  	v27 =	vpop (erf)  }
0xa1: {  	v28 =	vpop (erf)  }
0xa2: {  	v29 =	vpop (erf)  }
0xa3: {  	v30 =	vpop (erf)  }
0xa4: {  	v31 =	vpop (erf)  }
0xa5: {  	v10 =	vmul.f32 v31, v61;
	_ =	sdelay $0x1  }
0xa6: {  	v31 =	vmul.f32 v10, v10;
	_ =	sdelay $0x1  }
0xa7: {  	v32 =	vmul.f32 $1.428571340e-01, v31;
	_ =	sdelay $0x1  }
0xa8: {  	v32 =	vadd.f32 $2.000000030e-01, v32;
	_ =	sdelay $0x1  }
0xa9: {  	v32 =	vmul.f32 v32, v31;
	_ =	sdelay $0x1  }
0xaa: {  	v32 =	vadd.f32 $3.333333430e-01, v32;
	_ =	sdelay $0x1  }
0xab: {  	v11 =	vshra.s32 v53, $0x17;
	v40 =	vsel vm0, $0xFFFFFF82, v1;
	v31 =	vmul.f32 v32, v31  }
0xac: {  	v11 =	vadd.s32 v11, v40  }
0xad: {  	v11 =	vcvt.s32.f32 v11;
	v10 =	vadd.f32 v10, v10;
	v31 =	vadd.f32 $1.000000000e+00, v31;
	_ =	sdelay $0x1  }
0xae: {  	v11 =	vmul.f32 $6.931471820e-01, v11;
	v10 =	vmul.f32 v31, v10;
	_ =	sdelay $0x1  }
0xaf: {  	v10 =	vadd.f32 v10, v11;
	_ =	sdelay $0x1  }
0xb0: {  	v10 =	vmul.f32 $-2.500000000e-01, v10;
	_ =	sdelay $0x1  }
0xb1: {  	v10 =	vmul.f32 $1.442695020e+00, v10;
	_ =	sdelay $0x1  }
0xb2: {  	v3 =	vshll.u32 v3, $0x7;
	(erf) = vpow2.f32 v10  }
0xb3: {  	v3 =	vor.u32 v0, v3;
	_ =	sdelay $0x4  }
0xb4: {  	v3 =	vld.idx.msk [tilespmem:v3+s14+$0x0], $0xffff;
	_ =	sdelay $0x2  }
0xb5: {  	v10 =	vpop (erf)  }
0xb6: {  	v10 =	vmul.f32 $5.000000000e-01, v10  }
0xb7: {  	v41 =	vsub.f32 v3, v4  }
0xb8: {  	v42 =	vmul.f32 $-3.000000000e+01, v10  }
0xb9: {  	v13 =	vadd.f32 v20, v56;
	v9 =	vadd.f32 v54, v52;
	v11 =	vmul.f32 $1.442695020e+00, v41  }
0xba: {  	v43 =	vmul.f32 $1.442695020e+00, v42  }
0xbb: {  	v9 =	vadd.f32 v13, v9;
	(erf) = vpow2.f32 v11  }
0xbc: {  	v7 =	vadd.f32 v8, v7;
	(erf) = vpow2.f32 v43  }
0xbd: {  	v44 =	vadd.f32 v23, v21;
	v6 =	vadd.f32 v9, v6  }
0xbe: {  	v45 =	vadd.f32 v60, v58;
	v46 =	vadd.f32 v63, v62  }
0xbf: {  	v47 =	vadd.f32 v38, v37;
	v48 =	vadd.f32 v24, v39  }
0xc0: {  	v5 =	vadd.f32 v7, v5;
	v6 =	vadd.f32 v44, v6  }
0xc1: {  	v49 =	vadd.f32 v46, v45;
	v50 =	vadd.f32 v48, v47  }
0xc2: {  	v51 =	vadd.f32 v28, v27;
	v52 =	vadd.f32 v30, v29  }
0xc3: {  	v53 =	vadd.f32 v26, v25;
	v6 =	vadd.f32 v50, v6  }
0xc4: {  	v5 =	vadd.f32 v49, v5;
	v54 =	vadd.f32 v52, v51;
	v55 =	vpop (erf)  }
0xc5: {  	v6 =	vadd.f32 v53, v6;
	v56 =	vpop (erf)  }
0xc6: {  	v5 =	vadd.f32 v54, v5;
	v57 =	vadd.f32 $-1.000000000e+00, v56;
	_ =	sdelay $0x1  }
0xc7: {  	v5 =	vadd.f32 v5, v6;
	v58 =	vmul.f32 v55, v57;
	_ =	sdelay $0x1  }
0xc8: {  	v5 =	vadd.f32 v58, v5;
	_ =	sdelay $0x1  }
0xc9: {  	v6 =	vand.u32 $0x7FFFFF, v5  }
0xca: {  	v6 =	vor.u32 $0x3F800000, v6  }
0xcb: {  	v59 =	vmul.f32 $5.000000000e-01, v6  }
0xcc: {  	vm15 =	vgt.f32 v6, $1.500000000e+00  }
0xcd: {  	v6 =	vsel vm15, v59, v6  }
0xce: {  	v6 =	vadd.f32 $-1.000000000e+00, v6;
	_ =	sdelay $0x1  }
0xcf: {  	v60 =	vadd.f32 $2.000000000e+00, v6;
	_ =	sdelay $0x1  }
0xd0: {  	(erf) = vrcp.f32 v60;
	_ =	sdelay $0x8  }
0xd1: {  	v7 =	vpop (erf)  }
0xd2: {  	v6 =	vmul.f32 v7, v6;
	_ =	sdelay $0x1  }
0xd3: {  	v7 =	vmul.f32 v6, v6;
	_ =	sdelay $0x1  }
0xd4: {  	v61 =	vmul.f32 $1.428571340e-01, v7;
	_ =	sdelay $0x1  }
0xd5: {  	v8 =	vadd.f32 $2.000000030e-01, v61;
	_ =	sdelay $0x1  }
0xd6: {  	v8 =	vmul.f32 v8, v7;
	_ =	sdelay $0x1  }
0xd7: {  	v8 =	vadd.f32 $3.333333430e-01, v8;
	_ =	sdelay $0x1  }
0xd8: {  	v5 =	vshra.s32 v5, $0x17;
	v62 =	vsel vm15, $0xFFFFFF82, v1;
	v7 =	vmul.f32 v8, v7  }
0xd9: {  	v5 =	vadd.s32 v5, v62  }
0xda: {  	v5 =	vcvt.s32.f32 v5;
	v6 =	vadd.f32 v6, v6;
	v7 =	vadd.f32 $1.000000000e+00, v7;
	_ =	sdelay $0x1  }
0xdb: {  	v5 =	vmul.f32 $6.931471820e-01, v5;
	v6 =	vmul.f32 v7, v6;
	_ =	sdelay $0x1  }
0xdc: {  	s19 =	sadd.s32 $0x1, s19;
	v3 =	vsub.f32 v4, v3;
	v5 =	vadd.f32 v6, v5  }
0xdd: {  	p0 =	sne.s32 s19, $0x8  }
.Ltmp2:
0xde: {  	v63 =	vmul.f32 $3.000000000e+01, v10;
	v3 =	vadd.f32 v5, v3;
	(pc) =	sbr.rel @p0 .LBB2_2-.Ltmp2, $3  }
0xdf: {  	_ = 	snop  }
0xe0: {  	v3 =	vadd.f32 v3, v63;
	_ =	sdelay $0x1  }
0xe1: {  	s18 =	sadd.s32 $0x10, s18;
	v2 =	vadd.f32 v3, v2  }
0xe2: {  	_ = 	snop  }
0xe3: {  	s17 =	sadd.s32 $0x1, s17;
	v2 =	vmul.f32 $6.103515630e-05, v2  }
0xe4: {  	p0 =	sne.s32 s17, s7  }
.Ltmp3:
0xe5: {  	[tilespmem:$0x6880] =	vst v2;
	(pc) =	sbr.rel @p0 .LBB2_1-.Ltmp3, $4  }
0xe6: {  	[hbm4b:s6+s2] =	stream.linear.scatter [tilespmem:s15], [sflag:$0x3], $0x10, $0x38;
	[tilespmem:$0x6900] =	vst v63  }
0xe7: {  	_ =	swait.ge [sflag:s16], $0x10  }
0xe8: {  	[sflag:s16] =	ssyncset.done $0x0  }
0xe9: {  	[sflag:s16] =	ssyncadd.s32 $0xFFFFFFF0  }
0xea: {  	_ =	sfence.sel $0x180000  }
0xeb: {  	[bflag:$0x0] =	sbarrier.arrive $0xFFFF  }
0xec: {  	p0 =	sne.s32 s1, $0x0;
	_ =	strace $0x90000047  }
0xed: {  	s0 =	sadd.s32 @!p0 $0x100000, s0;
	[bflag:$0x2] =	sbarrier.arrive $0xFFFF  }
0xee: {  	[sflag:s0] =	ssyncadd.tile.s32 @!p0 $0x1;
	_ =	shalt  }
.Lfunc_end2:
_tile_overlayer_lowered:
.L_overlay_start_2:
0xef: {  	(tag) =	ssettag $0x2  }
0xf0: {  	s0 =	rddreg [dreg:$0x0];
	s2 =	stileid.u32  }
0xf1: {  	s1 =	rddreg [dreg:$0x1];
	p0 =	sne.s32 s2, $0x0  }
0xf2: {  	s3 =	rddreg [dreg:$0x2];
	[bflag:$0x3] =	sbarrier.arrive $0xFFFF;
	s2 =	simm.s32 @!p0 $0x1C03  }
0xf3: {  	[timem:s3], [sflag:s2] =	dma.local @!p0 [hbm:s0], s1  }
0xf4: {  	s0 =	simm.s32 @!p0 $0x3  }
0xf5: {  	_ =	swait.ge @!p0 [sflag:s0], s1  }
0xf6: {  	s1 =	ssub.s32 @!p0 $0x0, s1;
	[sflag:s0] =	ssyncset.done @!p0 $0x0  }
0xf7: {  	[sflag:s0] =	ssyncadd.s32 @!p0 s1  }
0xf8: {  	[bflag:$0x3] =	sbarrier.arrive $0xFFFF  }
0xf9: {  	_ =	shalt  }

</sc_bundles>
